<compile_context>
chip_gen: v7x
topology: tpu7x:2x2x1
jax: 0.10.2.dev20260603
libtpu: 0.0.44.dev20260713+nightly
codegen_flags: <defaults>
</compile_context>

<pallas_src>
import jax
import jax.numpy as jnp
from jax import lax
from jax.experimental import pallas as pl
from jax.experimental.pallas import tpu as pltpu
from jax.experimental.pallas import tpu_sc as plsc

N = 10000
E = 160000
D = 256
HALF = D // 2
NS = 16
NC = 2
EPT = E // NS
CK = 80
CH = EPT // CK
NPAD = 10240
NBUF = 3
RPT = NPAD // NS


def _sc_body(xcat, row_r, col_r, zf, zc, ones_h,
             agg_out, cnt_out,
             rring, colv, gbuf, onesv, s_agg, s_cnt, sem, rsem):
    cid = lax.axis_index("c")
    sid = lax.axis_index("s")

    pltpu.sync_copy(zf, s_agg.at[pl.ds(sid * RPT, RPT)])
    pltpu.sync_copy(zc, s_cnt.at[pl.ds(sid * RPT, RPT)])

    pltpu.sync_copy(col_r.at[sid], colv)
    pltpu.sync_copy(ones_h, onesv)

    plsc.subcore_barrier()

    def fetch_start(j, p):
        pltpu.async_copy(
            xcat.at[cid].at[colv.at[pl.ds(j * CK, CK)]], gbuf.at[p],
            sem.at[p])
        pltpu.async_copy(row_r.at[sid, j], rring.at[p], rsem.at[p])

    def fetch_wait(p):
        pltpu.make_async_copy(zf.at[pl.ds(0, CK)], gbuf.at[p],
                              sem.at[p]).wait()
        pltpu.make_async_copy(row_r.at[0, 0], rring.at[p],
                              rsem.at[p]).wait()

    for b in range(NBUF):
        fetch_start(b, b)

    def step(j, carry):
        p = lax.rem(j, NBUF)
        fetch_wait(p)

        pltpu.sync_copy(gbuf.at[p], s_agg.at[rring.at[p]], add=True)

        @pl.when(lax.rem(j, 2) == cid)
        def _():
            pltpu.sync_copy(onesv, s_cnt.at[rring.at[p]], add=True)

        @pl.when(j < CH - NBUF)
        def _():
            fetch_start(j + NBUF, p)
        return carry

    lax.fori_loop(0, CH, step, 0)

    plsc.subcore_barrier()

    pltpu.sync_copy(s_agg.at[pl.ds(sid * RPT, RPT)],
                    agg_out.at[cid, pl.ds(sid * RPT, RPT)])
    pltpu.sync_copy(s_cnt.at[pl.ds(sid * RPT, RPT)],
                    cnt_out.at[cid, pl.ds(sid * RPT, RPT)])


def _sc_aggregate(xcat, row_r, col_r, zf, zc, ones_h):
    mesh = plsc.VectorSubcoreMesh(core_axis_name="c", subcore_axis_name="s")
    fn = pl.kernel(
        _sc_body,
        out_type=[
            jax.ShapeDtypeStruct((NC, NPAD, HALF), jnp.float32),
            jax.ShapeDtypeStruct((NC, NPAD), jnp.float32),
        ],
        mesh=mesh,
        scratch_types=[
            pltpu.VMEM((NBUF, CK), jnp.int32),
            pltpu.VMEM((EPT,), jnp.int32),
            pltpu.VMEM((NBUF, CK, HALF), jnp.float32),
            pltpu.VMEM((CK,), jnp.float32),
            pltpu.VMEM_SHARED((NPAD, HALF), jnp.float32),
            pltpu.VMEM_SHARED((NPAD,), jnp.float32),
            pltpu.SemaphoreType.DMA((NBUF,)),
            pltpu.SemaphoreType.DMA((NBUF,)),
        ],
        name="sage_sc_aggregate",
    )
    return fn(xcat, row_r, col_r, zf, zc, ones_h)


def _tc_body(x_ref, agg_ref, ca_ref, cb_ref, wx_ref, wa_ref, wb_ref, b_ref,
             o_ref):
    cinv = 1.0 / (ca_ref[...] + cb_ref[...] + 1e-6)
    y = jnp.dot(x_ref[...], wx_ref[...], preferred_element_type=jnp.float32)
    y = y + jnp.dot(agg_ref[0] * cinv, wa_ref[...],
                    preferred_element_type=jnp.float32)
    y = y + jnp.dot(agg_ref[1] * cinv, wb_ref[...],
                    preferred_element_type=jnp.float32)
    o_ref[...] = jnp.maximum(y + b_ref[...], 0.0)


def _tc_fuse(x, agg2, ca, cb, wx, wa, wb, b2):
    R = 2000
    grid = (N // R,)
    return pl.pallas_call(
        _tc_body,
        grid=grid,
        in_specs=[
            pl.BlockSpec((R, D), lambda i: (i, 0)),
            pl.BlockSpec((NC, R, HALF), lambda i: (0, i, 0)),
            pl.BlockSpec((R, 1), lambda i: (i, 0)),
            pl.BlockSpec((R, 1), lambda i: (i, 0)),
            pl.BlockSpec((D, D), lambda i: (0, 0)),
            pl.BlockSpec((HALF, D), lambda i: (0, 0)),
            pl.BlockSpec((HALF, D), lambda i: (0, 0)),
            pl.BlockSpec((1, D), lambda i: (0, 0)),
        ],
        out_specs=pl.BlockSpec((R, D), lambda i: (i, 0)),
        out_shape=jax.ShapeDtypeStruct((N, D), jnp.float32),
        name="sage_tc_fuse",
    )(x, agg2, ca, cb, wx, wa, wb, b2)


def kernel(x, edge_index, W, b):
    row = edge_index[0].astype(jnp.int32)
    col = edge_index[1].astype(jnp.int32)
    row_r = row.reshape(NS, CH, CK)
    col_r = col.reshape(NS, EPT)
    xcat = jnp.stack([x[:, :HALF], x[:, HALF:]])
    zf = jnp.zeros((RPT, HALF), jnp.float32)
    zc = jnp.zeros((RPT,), jnp.float32)
    ones_h = jnp.ones((CK,), jnp.float32)

    agg2, cpart = _sc_aggregate(xcat, row_r, col_r, zf, zc, ones_h)

    ca = cpart[0][:N].reshape(N, 1)
    cb = cpart[1][:N].reshape(N, 1)
    Wt = W.T
    wx = Wt[:D]
    wa = Wt[D:D + HALF]
    wb = Wt[D + HALF:]
    return _tc_fuse(x, agg2, ca, cb, wx, wa, wb, b.reshape(1, D))

# --- scband reference (transcript-rebuilt; emitter-appended) ---
"""Pipeline reference for scband-graph-sageconv-85667417686665 (READ-ONLY COPY).

The authoritative reference and input builder live on the scoring server;
editing this copy changes nothing except your own understanding.
"""

import jax, jax.numpy as jnp
import numpy as np


def setup_inputs(seed: int = 0) -> dict:
    key = jax.random.key(seed)
    k1, k2, k3 = jax.random.split(key, 3)
    N = 10000
    E = 160000
    d = 256
    x = jax.random.normal(k1, (N, d), dtype=jnp.float32)
    edge_index = jax.random.randint(k2, (2, E), 0, N)
    W = jax.random.normal(k3, (d, 2 * d), dtype=jnp.float32) * 0.02
    b = jnp.zeros((d,), dtype=jnp.float32)
    return {"x": x, "edge_index": edge_index, "W": W, "b": b}


def reference(x, edge_index, W, b):
    row = edge_index[0]
    col = edge_index[1]
    neighbor_feats = x[col]
    agg_feats = jnp.zeros_like(x).at[row].add(neighbor_feats)
    counts = jnp.bincount(row, minlength=x.shape[0], length=x.shape[0]).astype(x.dtype)
    agg_feats = agg_feats / (counts[:, None] + 1e-06)
    h = jnp.concatenate([x, agg_feats], axis=1)
    return jax.nn.relu(h @ W.T + b)

if __name__ == "__main__":
    import jax
    _d = setup_inputs()
    print(jax.jit(kernel)(*tuple(_d.values())))

</pallas_src>

<mosaic_0001>
#map = affine_map<(d0, d1) -> (0, 0, 0)>
#map1 = affine_map<(d0, d1) -> (0, 0)>
#map2 = affine_map<(d0, d1) -> (0)>
module attributes {stable_mosaic.version = 14 : i64} {
  func.func @sage_sc_aggregate(%arg0: i32, %arg1: i32, %arg2: memref<2x10000x128xf32, #tpu.memory_space<hbm>>, %arg3: memref<16x125x80xi32, #tpu.memory_space<hbm>>, %arg4: memref<16x10000xi32, #tpu.memory_space<hbm>>, %arg5: memref<640x128xf32, #tpu.memory_space<hbm>>, %arg6: memref<640xf32, #tpu.memory_space<hbm>>, %arg7: memref<80xf32, #tpu.memory_space<hbm>>, %arg8: memref<2x10240x128xf32, #tpu.memory_space<hbm>>, %arg9: memref<2x10240xf32, #tpu.memory_space<hbm>>, %arg10: memref<3x80xi32, #tpu.memory_space<vmem>>, %arg11: memref<10000xi32, #tpu.memory_space<vmem>>, %arg12: memref<3x80x128xf32, #tpu.memory_space<vmem>>, %arg13: memref<80xf32, #tpu.memory_space<vmem>>, %arg14: memref<10240x128xf32, #tpu.memory_space<vmem_shared>>, %arg15: memref<10240xf32, #tpu.memory_space<vmem_shared>>, %arg16: memref<3x!tpu.dma_semaphore, #tpu.memory_space<semaphore_mem>>, %arg17: memref<3x!tpu.dma_semaphore, #tpu.memory_space<semaphore_mem>>) attributes {dimension_semantics = [#tpu.dimension_semantics<core_parallel>, #tpu.dimension_semantics<subcore_parallel>], iteration_bounds = array<i64: 2, 16>, scalar_prefetch = 0 : i64, scratch_operands = 8 : i64, tpu.core_type = #tpu.core_type<sc_vector_subcore>, window_params = [{transform_indices = #map}, {transform_indices = #map}, {transform_indices = #map1}, {transform_indices = #map1}, {transform_indices = #map2}, {transform_indices = #map2}, {transform_indices = #map}, {transform_indices = #map1}]} {
    %mul3A = arith.constant 640 : i32
    %mul3A_0 = arith.muli %arg1, %mul3A : i32
    "tpu.region"() ({
      %run_scoped3A = tpu.sem_alloc : memref<!tpu.dma_semaphore, #tpu.memory_space<semaphore_mem>>
      %dma_start3A_118 = arith.constant 0 : i32
      %dma_start3A_119 = tpu.memref_slice %arg14[%mul3A_0, %dma_start3A_118] : memref<10240x128xf32, #tpu.memory_space<vmem_shared>> -> memref<640x128xf32, #tpu.memory_space<vmem_shared>>
      tpu.enqueue_dma source(%arg5 : memref<640x128xf32, #tpu.memory_space<hbm>>) target(%dma_start3A_119 : memref<640x128xf32, #tpu.memory_space<vmem_shared>>) target_semaphore(%run_scoped3A : memref<!tpu.dma_semaphore, #tpu.memory_space<semaphore_mem>>)
      %dma_wait3A = arith.constant 0 : i32
      %dma_wait3A_120 = tpu.memref_slice %arg14[%mul3A_0, %dma_wait3A] : memref<10240x128xf32, #tpu.memory_space<vmem_shared>> -> memref<640x128xf32, #tpu.memory_space<vmem_shared>>
      tpu.wait_dma2 semaphore(%run_scoped3A : memref<!tpu.dma_semaphore, #tpu.memory_space<semaphore_mem>>) src(%arg5 : memref<640x128xf32, #tpu.memory_space<hbm>>) dst(%dma_wait3A_120 : memref<640x128xf32, #tpu.memory_space<vmem_shared>>)
      tpu.yield
    }) : () -> ()
    %mul3A_1 = arith.constant 640 : i32
    %mul3A_2 = arith.muli %arg1, %mul3A_1 : i32
    "tpu.region"() ({
      %run_scoped3A = tpu.sem_alloc : memref<!tpu.dma_semaphore, #tpu.memory_space<semaphore_mem>>
      %dma_start3A_118 = tpu.memref_slice %arg15[%mul3A_2] : memref<10240xf32, #tpu.memory_space<vmem_shared>> -> memref<640xf32, #tpu.memory_space<vmem_shared>>
      tpu.enqueue_dma source(%arg6 : memref<640xf32, #tpu.memory_space<hbm>>) target(%dma_start3A_118 : memref<640xf32, #tpu.memory_space<vmem_shared>>) target_semaphore(%run_scoped3A : memref<!tpu.dma_semaphore, #tpu.memory_space<semaphore_mem>>)
      %dma_wait3A = tpu.memref_slice %arg15[%mul3A_2] : memref<10240xf32, #tpu.memory_space<vmem_shared>> -> memref<640xf32, #tpu.memory_space<vmem_shared>>
      tpu.wait_dma2 semaphore(%run_scoped3A : memref<!tpu.dma_semaphore, #tpu.memory_space<semaphore_mem>>) src(%arg6 : memref<640xf32, #tpu.memory_space<hbm>>) dst(%dma_wait3A : memref<640xf32, #tpu.memory_space<vmem_shared>>)
      tpu.yield
    }) : () -> ()
    "tpu.region"() ({
      %run_scoped3A = tpu.sem_alloc : memref<!tpu.dma_semaphore, #tpu.memory_space<semaphore_mem>>
      %dma_start3A_118 = arith.constant 0 : i32
      %dma_start3A_119 = tpu.memref_slice %arg4[%arg1, %dma_start3A_118] : memref<16x10000xi32, #tpu.memory_space<hbm>> -> memref<1x10000xi32, #tpu.memory_space<hbm>>
      %dma_start3A_120 = tpu.memref_squeeze %dma_start3A_119 : memref<1x10000xi32, #tpu.memory_space<hbm>> -> memref<10000xi32, #tpu.memory_space<hbm>>
      %dma_start3A_121 = arith.constant 0 : i32
      %dma_start3A_122 = tpu.memref_slice %arg4[%arg1, %dma_start3A_121] : memref<16x10000xi32, #tpu.memory_space<hbm>> -> memref<1x10000xi32, #tpu.memory_space<hbm>>
      %dma_start3A_123 = tpu.memref_squeeze %dma_start3A_122 : memref<1x10000xi32, #tpu.memory_space<hbm>> -> memref<10000xi32, #tpu.memory_space<hbm>>
      tpu.enqueue_dma source(%dma_start3A_123 : memref<10000xi32, #tpu.memory_space<hbm>>) target(%arg11 : memref<10000xi32, #tpu.memory_space<vmem>>) target_semaphore(%run_scoped3A : memref<!tpu.dma_semaphore, #tpu.memory_space<semaphore_mem>>)
      %dma_wait3A = arith.constant 0 : i32
      %dma_wait3A_124 = tpu.memref_slice %arg4[%arg1, %dma_wait3A] : memref<16x10000xi32, #tpu.memory_space<hbm>> -> memref<1x10000xi32, #tpu.memory_space<hbm>>
      %dma_wait3A_125 = tpu.memref_squeeze %dma_wait3A_124 : memref<1x10000xi32, #tpu.memory_space<hbm>> -> memref<10000xi32, #tpu.memory_space<hbm>>
      %dma_wait3A_126 = arith.constant 0 : i32
      %dma_wait3A_127 = tpu.memref_slice %arg4[%arg1, %dma_wait3A_126] : memref<16x10000xi32, #tpu.memory_space<hbm>> -> memref<1x10000xi32, #tpu.memory_space<hbm>>
      %dma_wait3A_128 = tpu.memref_squeeze %dma_wait3A_127 : memref<1x10000xi32, #tpu.memory_space<hbm>> -> memref<10000xi32, #tpu.memory_space<hbm>>
      tpu.wait_dma2 semaphore(%run_scoped3A : memref<!tpu.dma_semaphore, #tpu.memory_space<semaphore_mem>>) src(%dma_wait3A_128 : memref<10000xi32, #tpu.memory_space<hbm>>) dst(%arg11 : memref<10000xi32, #tpu.memory_space<vmem>>)
      tpu.yield
    }) : () -> ()
    "tpu.region"() ({
      %run_scoped3A = tpu.sem_alloc : memref<!tpu.dma_semaphore, #tpu.memory_space<semaphore_mem>>
      tpu.enqueue_dma source(%arg7 : memref<80xf32, #tpu.memory_space<hbm>>) target(%arg13 : memref<80xf32, #tpu.memory_space<vmem>>) target_semaphore(%run_scoped3A : memref<!tpu.dma_semaphore, #tpu.memory_space<semaphore_mem>>)
      tpu.wait_dma2 semaphore(%run_scoped3A : memref<!tpu.dma_semaphore, #tpu.memory_space<semaphore_mem>>) src(%arg7 : memref<80xf32, #tpu.memory_space<hbm>>) dst(%arg13 : memref<80xf32, #tpu.memory_space<vmem>>)
      tpu.yield
    }) : () -> ()
    %barrier3A = arith.constant 0 : index
    tpu.barrier barrier_id(%barrier3A)
    %dma_start3A = arith.constant 0 : i32
    %dma_start3A_3 = arith.constant 0 : i32
    %dma_start3A_4 = arith.constant 0 : i32
    %dma_start3A_5 = arith.constant 0 : i32
    %dma_start3A_6 = tpu.memref_slice %arg12[%dma_start3A, %dma_start3A_4, %dma_start3A_5] : memref<3x80x128xf32, #tpu.memory_space<vmem>> -> memref<1x80x128xf32, #tpu.memory_space<vmem>>
    %dma_start3A_7 = tpu.memref_squeeze %dma_start3A_6 : memref<1x80x128xf32, #tpu.memory_space<vmem>> -> memref<80x128xf32, #tpu.memory_space<vmem>>
    %dma_start3A_8 = arith.constant 0 : i32
    %dma_start3A_9 = tpu.memref_slice %arg11[%dma_start3A_8] : memref<10000xi32, #tpu.memory_space<vmem>> -> memref<80xi32, #tpu.memory_space<vmem>>
    %dma_start3A_10 = arith.constant 0 : i32
    %dma_start3A_11 = arith.constant 0 : i32
    %dma_start3A_12 = tpu.memref_slice %arg2[%arg0, %dma_start3A_10, %dma_start3A_11] : memref<2x10000x128xf32, #tpu.memory_space<hbm>> -> memref<1x10000x128xf32, #tpu.memory_space<hbm>>
    %dma_start3A_13 = tpu.memref_squeeze %dma_start3A_12 : memref<1x10000x128xf32, #tpu.memory_space<hbm>> -> memref<10000x128xf32, #tpu.memory_space<hbm>>
    %dma_start3A_14 = arith.constant 0 : i32
    %dma_start3A_15 = arith.constant 0 : i32
    %dma_start3A_16 = tpu.memref_slice %dma_start3A_13[%dma_start3A_14, %dma_start3A_15] : memref<10000x128xf32, #tpu.memory_space<hbm>> -> memref<10000x128xf32, #tpu.memory_space<hbm>>
    %dma_start3A_17 = tpu.memref_slice %arg16[%dma_start3A_3] : memref<3x!tpu.dma_semaphore, #tpu.memory_space<semaphore_mem>> -> memref<1x!tpu.dma_semaphore, #tpu.memory_space<semaphore_mem>>
    %dma_start3A_18 = tpu.memref_squeeze %dma_start3A_17 : memref<1x!tpu.dma_semaphore, #tpu.memory_space<semaphore_mem>> -> memref<!tpu.dma_semaphore, #tpu.memory_space<semaphore_mem>>
    tpu.enqueue_indirect_dma source(%dma_start3A_16 : memref<10000x128xf32, #tpu.memory_space<hbm>>) target(%dma_start3A_7 : memref<80x128xf32, #tpu.memory_space<vmem>>) offsets(%dma_start3A_9 : memref<80xi32, #tpu.memory_space<vmem>>) semaphore(%dma_start3A_18 : memref<!tpu.dma_semaphore, #tpu.memory_space<semaphore_mem>>)
    %dma_start3A_19 = arith.constant 0 : i32
    %dma_start3A_20 = arith.constant 0 : i32
    %dma_start3A_21 = arith.constant 0 : i32
    %dma_start3A_22 = arith.constant 0 : i32
    %dma_start3A_23 = tpu.memref_slice %arg10[%dma_start3A_20, %dma_start3A_22] : memref<3x80xi32, #tpu.memory_space<vmem>> -> memref<1x80xi32, #tpu.memory_space<vmem>>
    %dma_start3A_24 = tpu.memref_squeeze %dma_start3A_23 : memref<1x80xi32, #tpu.memory_space<vmem>> -> memref<80xi32, #tpu.memory_space<vmem>>
    %dma_start3A_25 = arith.constant 0 : i32
    %dma_start3A_26 = tpu.memref_slice %arg3[%arg1, %dma_start3A_19, %dma_start3A_25] : memref<16x125x80xi32, #tpu.memory_space<hbm>> -> memref<1x1x80xi32, #tpu.memory_space<hbm>>
    %dma_start3A_27 = tpu.memref_squeeze %dma_start3A_26 : memref<1x1x80xi32, #tpu.memory_space<hbm>> -> memref<80xi32, #tpu.memory_space<hbm>>
    %dma_start3A_28 = tpu.memref_slice %arg17[%dma_start3A_21] : memref<3x!tpu.dma_semaphore, #tpu.memory_space<semaphore_mem>> -> memref<1x!tpu.dma_semaphore, #tpu.memory_space<semaphore_mem>>
    %dma_start3A_29 = tpu.memref_squeeze %dma_start3A_28 : memref<1x!tpu.dma_semaphore, #tpu.memory_space<semaphore_mem>> -> memref<!tpu.dma_semaphore, #tpu.memory_space<semaphore_mem>>
    %dma_start3A_30 = arith.constant 0 : i32
    %dma_start3A_31 = tpu.memref_slice %arg10[%dma_start3A_20, %dma_start3A_30] : memref<3x80xi32, #tpu.memory_space<vmem>> -> memref<1x80xi32, #tpu.memory_space<vmem>>
    %dma_start3A_32 = tpu.memref_squeeze %dma_start3A_31 : memref<1x80xi32, #tpu.memory_space<vmem>> -> memref<80xi32, #tpu.memory_space<vmem>>
    %dma_start3A_33 = arith.constant 0 : i32
    %dma_start3A_34 = tpu.memref_slice %arg3[%arg1, %dma_start3A_19, %dma_start3A_33] : memref<16x125x80xi32, #tpu.memory_space<hbm>> -> memref<1x1x80xi32, #tpu.memory_space<hbm>>
    %dma_start3A_35 = tpu.memref_squeeze %dma_start3A_34 : memref<1x1x80xi32, #tpu.memory_space<hbm>> -> memref<80xi32, #tpu.memory_space<hbm>>
    tpu.enqueue_dma source(%dma_start3A_35 : memref<80xi32, #tpu.memory_space<hbm>>) target(%dma_start3A_32 : memref<80xi32, #tpu.memory_space<vmem>>) target_semaphore(%dma_start3A_29 : memref<!tpu.dma_semaphore, #tpu.memory_space<semaphore_mem>>)
    %dma_start3A_36 = arith.constant 1 : i32
    %dma_start3A_37 = arith.constant 1 : i32
    %dma_start3A_38 = arith.constant 0 : i32
    %dma_start3A_39 = arith.constant 0 : i32
    %dma_start3A_40 = tpu.memref_slice %arg12[%dma_start3A_36, %dma_start3A_38, %dma_start3A_39] : memref<3x80x128xf32, #tpu.memory_space<vmem>> -> memref<1x80x128xf32, #tpu.memory_space<vmem>>
    %dma_start3A_41 = tpu.memref_squeeze %dma_start3A_40 : memref<1x80x128xf32, #tpu.memory_space<vmem>> -> memref<80x128xf32, #tpu.memory_space<vmem>>
    %dma_start3A_42 = arith.constant 80 : i32
    %dma_start3A_43 = tpu.memref_slice %arg11[%dma_start3A_42] : memref<10000xi32, #tpu.memory_space<vmem>> -> memref<80xi32, #tpu.memory_space<vmem>>
    %dma_start3A_44 = arith.constant 0 : i32
    %dma_start3A_45 = arith.constant 0 : i32
    %dma_start3A_46 = tpu.memref_slice %arg2[%arg0, %dma_start3A_44, %dma_start3A_45] : memref<2x10000x128xf32, #tpu.memory_space<hbm>> -> memref<1x10000x128xf32, #tpu.memory_space<hbm>>
    %dma_start3A_47 = tpu.memref_squeeze %dma_start3A_46 : memref<1x10000x128xf32, #tpu.memory_space<hbm>> -> memref<10000x128xf32, #tpu.memory_space<hbm>>
    %dma_start3A_48 = arith.constant 0 : i32
    %dma_start3A_49 = arith.constant 0 : i32
    %dma_start3A_50 = tpu.memref_slice %dma_start3A_47[%dma_start3A_48, %dma_start3A_49] : memref<10000x128xf32, #tpu.memory_space<hbm>> -> memref<10000x128xf32, #tpu.memory_space<hbm>>
    %dma_start3A_51 = tpu.memref_slice %arg16[%dma_start3A_37] : memref<3x!tpu.dma_semaphore, #tpu.memory_space<semaphore_mem>> -> memref<1x!tpu.dma_semaphore, #tpu.memory_space<semaphore_mem>>
    %dma_start3A_52 = tpu.memref_squeeze %dma_start3A_51 : memref<1x!tpu.dma_semaphore, #tpu.memory_space<semaphore_mem>> -> memref<!tpu.dma_semaphore, #tpu.memory_space<semaphore_mem>>
    tpu.enqueue_indirect_dma source(%dma_start3A_50 : memref<10000x128xf32, #tpu.memory_space<hbm>>) target(%dma_start3A_41 : memref<80x128xf32, #tpu.memory_space<vmem>>) offsets(%dma_start3A_43 : memref<80xi32, #tpu.memory_space<vmem>>) semaphore(%dma_start3A_52 : memref<!tpu.dma_semaphore, #tpu.memory_space<semaphore_mem>>)
    %dma_start3A_53 = arith.constant 1 : i32
    %dma_start3A_54 = arith.constant 1 : i32
    %dma_start3A_55 = arith.constant 1 : i32
    %dma_start3A_56 = arith.constant 0 : i32
    %dma_start3A_57 = tpu.memref_slice %arg10[%dma_start3A_54, %dma_start3A_56] : memref<3x80xi32, #tpu.memory_space<vmem>> -> memref<1x80xi32, #tpu.memory_space<vmem>>
    %dma_start3A_58 = tpu.memref_squeeze %dma_start3A_57 : memref<1x80xi32, #tpu.memory_space<vmem>> -> memref<80xi32, #tpu.memory_space<vmem>>
    %dma_start3A_59 = arith.constant 0 : i32
    %dma_start3A_60 = tpu.memref_slice %arg3[%arg1, %dma_start3A_53, %dma_start3A_59] : memref<16x125x80xi32, #tpu.memory_space<hbm>> -> memref<1x1x80xi32, #tpu.memory_space<hbm>>
    %dma_start3A_61 = tpu.memref_squeeze %dma_start3A_60 : memref<1x1x80xi32, #tpu.memory_space<hbm>> -> memref<80xi32, #tpu.memory_space<hbm>>
    %dma_start3A_62 = tpu.memref_slice %arg17[%dma_start3A_55] : memref<3x!tpu.dma_semaphore, #tpu.memory_space<semaphore_mem>> -> memref<1x!tpu.dma_semaphore, #tpu.memory_space<semaphore_mem>>
    %dma_start3A_63 = tpu.memref_squeeze %dma_start3A_62 : memref<1x!tpu.dma_semaphore, #tpu.memory_space<semaphore_mem>> -> memref<!tpu.dma_semaphore, #tpu.memory_space<semaphore_mem>>
    %dma_start3A_64 = arith.constant 0 : i32
    %dma_start3A_65 = tpu.memref_slice %arg10[%dma_start3A_54, %dma_start3A_64] : memref<3x80xi32, #tpu.memory_space<vmem>> -> memref<1x80xi32, #tpu.memory_space<vmem>>
    %dma_start3A_66 = tpu.memref_squeeze %dma_start3A_65 : memref<1x80xi32, #tpu.memory_space<vmem>> -> memref<80xi32, #tpu.memory_space<vmem>>
    %dma_start3A_67 = arith.constant 0 : i32
    %dma_start3A_68 = tpu.memref_slice %arg3[%arg1, %dma_start3A_53, %dma_start3A_67] : memref<16x125x80xi32, #tpu.memory_space<hbm>> -> memref<1x1x80xi32, #tpu.memory_space<hbm>>
    %dma_start3A_69 = tpu.memref_squeeze %dma_start3A_68 : memref<1x1x80xi32, #tpu.memory_space<hbm>> -> memref<80xi32, #tpu.memory_space<hbm>>
    tpu.enqueue_dma source(%dma_start3A_69 : memref<80xi32, #tpu.memory_space<hbm>>) target(%dma_start3A_66 : memref<80xi32, #tpu.memory_space<vmem>>) target_semaphore(%dma_start3A_63 : memref<!tpu.dma_semaphore, #tpu.memory_space<semaphore_mem>>)
    %dma_start3A_70 = arith.constant 2 : i32
    %dma_start3A_71 = arith.constant 2 : i32
    %dma_start3A_72 = arith.constant 0 : i32
    %dma_start3A_73 = arith.constant 0 : i32
    %dma_start3A_74 = tpu.memref_slice %arg12[%dma_start3A_70, %dma_start3A_72, %dma_start3A_73] : memref<3x80x128xf32, #tpu.memory_space<vmem>> -> memref<1x80x128xf32, #tpu.memory_space<vmem>>
    %dma_start3A_75 = tpu.memref_squeeze %dma_start3A_74 : memref<1x80x128xf32, #tpu.memory_space<vmem>> -> memref<80x128xf32, #tpu.memory_space<vmem>>
    %dma_start3A_76 = arith.constant 160 : i32
    %dma_start3A_77 = tpu.memref_slice %arg11[%dma_start3A_76] : memref<10000xi32, #tpu.memory_space<vmem>> -> memref<80xi32, #tpu.memory_space<vmem>>
    %dma_start3A_78 = arith.constant 0 : i32
    %dma_start3A_79 = arith.constant 0 : i32
    %dma_start3A_80 = tpu.memref_slice %arg2[%arg0, %dma_start3A_78, %dma_start3A_79] : memref<2x10000x128xf32, #tpu.memory_space<hbm>> -> memref<1x10000x128xf32, #tpu.memory_space<hbm>>
    %dma_start3A_81 = tpu.memref_squeeze %dma_start3A_80 : memref<1x10000x128xf32, #tpu.memory_space<hbm>> -> memref<10000x128xf32, #tpu.memory_space<hbm>>
    %dma_start3A_82 = arith.constant 0 : i32
    %dma_start3A_83 = arith.constant 0 : i32
    %dma_start3A_84 = tpu.memref_slice %dma_start3A_81[%dma_start3A_82, %dma_start3A_83] : memref<10000x128xf32, #tpu.memory_space<hbm>> -> memref<10000x128xf32, #tpu.memory_space<hbm>>
    %dma_start3A_85 = tpu.memref_slice %arg16[%dma_start3A_71] : memref<3x!tpu.dma_semaphore, #tpu.memory_space<semaphore_mem>> -> memref<1x!tpu.dma_semaphore, #tpu.memory_space<semaphore_mem>>
    %dma_start3A_86 = tpu.memref_squeeze %dma_start3A_85 : memref<1x!tpu.dma_semaphore, #tpu.memory_space<semaphore_mem>> -> memref<!tpu.dma_semaphore, #tpu.memory_space<semaphore_mem>>
    tpu.enqueue_indirect_dma source(%dma_start3A_84 : memref<10000x128xf32, #tpu.memory_space<hbm>>) target(%dma_start3A_75 : memref<80x128xf32, #tpu.memory_space<vmem>>) offsets(%dma_start3A_77 : memref<80xi32, #tpu.memory_space<vmem>>) semaphore(%dma_start3A_86 : memref<!tpu.dma_semaphore, #tpu.memory_space<semaphore_mem>>)
    %dma_start3A_87 = arith.constant 2 : i32
    %dma_start3A_88 = arith.constant 2 : i32
    %dma_start3A_89 = arith.constant 2 : i32
    %dma_start3A_90 = arith.constant 0 : i32
    %dma_start3A_91 = tpu.memref_slice %arg10[%dma_start3A_88, %dma_start3A_90] : memref<3x80xi32, #tpu.memory_space<vmem>> -> memref<1x80xi32, #tpu.memory_space<vmem>>
    %dma_start3A_92 = tpu.memref_squeeze %dma_start3A_91 : memref<1x80xi32, #tpu.memory_space<vmem>> -> memref<80xi32, #tpu.memory_space<vmem>>
    %dma_start3A_93 = arith.constant 0 : i32
    %dma_start3A_94 = tpu.memref_slice %arg3[%arg1, %dma_start3A_87, %dma_start3A_93] : memref<16x125x80xi32, #tpu.memory_space<hbm>> -> memref<1x1x80xi32, #tpu.memory_space<hbm>>
    %dma_start3A_95 = tpu.memref_squeeze %dma_start3A_94 : memref<1x1x80xi32, #tpu.memory_space<hbm>> -> memref<80xi32, #tpu.memory_space<hbm>>
    %dma_start3A_96 = tpu.memref_slice %arg17[%dma_start3A_89] : memref<3x!tpu.dma_semaphore, #tpu.memory_space<semaphore_mem>> -> memref<1x!tpu.dma_semaphore, #tpu.memory_space<semaphore_mem>>
    %dma_start3A_97 = tpu.memref_squeeze %dma_start3A_96 : memref<1x!tpu.dma_semaphore, #tpu.memory_space<semaphore_mem>> -> memref<!tpu.dma_semaphore, #tpu.memory_space<semaphore_mem>>
    %dma_start3A_98 = arith.constant 0 : i32
    %dma_start3A_99 = tpu.memref_slice %arg10[%dma_start3A_88, %dma_start3A_98] : memref<3x80xi32, #tpu.memory_space<vmem>> -> memref<1x80xi32, #tpu.memory_space<vmem>>
    %dma_start3A_100 = tpu.memref_squeeze %dma_start3A_99 : memref<1x80xi32, #tpu.memory_space<vmem>> -> memref<80xi32, #tpu.memory_space<vmem>>
    %dma_start3A_101 = arith.constant 0 : i32
    %dma_start3A_102 = tpu.memref_slice %arg3[%arg1, %dma_start3A_87, %dma_start3A_101] : memref<16x125x80xi32, #tpu.memory_space<hbm>> -> memref<1x1x80xi32, #tpu.memory_space<hbm>>
    %dma_start3A_103 = tpu.memref_squeeze %dma_start3A_102 : memref<1x1x80xi32, #tpu.memory_space<hbm>> -> memref<80xi32, #tpu.memory_space<hbm>>
    tpu.enqueue_dma source(%dma_start3A_103 : memref<80xi32, #tpu.memory_space<hbm>>) target(%dma_start3A_100 : memref<80xi32, #tpu.memory_space<vmem>>) target_semaphore(%dma_start3A_97 : memref<!tpu.dma_semaphore, #tpu.memory_space<semaphore_mem>>)
    %scan3A = arith.constant 0 : i32
    %scan3A_104 = arith.constant 0 : i32
    %scan3A_105 = arith.constant 125 : i32
    %scan3A_106 = arith.addi %scan3A_104, %scan3A_105 : i32
    %scan3A_107 = arith.constant 1 : i32
    scf.for %scan3A_118 = %scan3A_104 to %scan3A_106 step %scan3A_107  : i32 {
      %rem3A = arith.constant 3 : i32
      %rem3A_119 = arith.remsi %scan3A_118, %rem3A : i32
      %dma_wait3A = arith.constant 0 : i32
      %dma_wait3A_120 = arith.constant 0 : i32
      %dma_wait3A_121 = tpu.memref_slice %arg12[%rem3A_119, %dma_wait3A, %dma_wait3A_120] : memref<3x80x128xf32, #tpu.memory_space<vmem>> -> memref<1x80x128xf32, #tpu.memory_space<vmem>>
      %dma_wait3A_122 = tpu.memref_squeeze %dma_wait3A_121 : memref<1x80x128xf32, #tpu.memory_space<vmem>> -> memref<80x128xf32, #tpu.memory_space<vmem>>
      %dma_wait3A_123 = arith.constant 0 : i32
      %dma_wait3A_124 = arith.constant 0 : i32
      %dma_wait3A_125 = tpu.memref_slice %arg5[%dma_wait3A_123, %dma_wait3A_124] : memref<640x128xf32, #tpu.memory_space<hbm>> -> memref<80x128xf32, #tpu.memory_space<hbm>>
      %dma_wait3A_126 = tpu.memref_slice %arg16[%rem3A_119] : memref<3x!tpu.dma_semaphore, #tpu.memory_space<semaphore_mem>> -> memref<1x!tpu.dma_semaphore, #tpu.memory_space<semaphore_mem>>
      %dma_wait3A_127 = tpu.memref_squeeze %dma_wait3A_126 : memref<1x!tpu.dma_semaphore, #tpu.memory_space<semaphore_mem>> -> memref<!tpu.dma_semaphore, #tpu.memory_space<semaphore_mem>>
      %dma_wait3A_128 = arith.constant 0 : i32
      %dma_wait3A_129 = arith.constant 0 : i32
      %dma_wait3A_130 = tpu.memref_slice %arg12[%rem3A_119, %dma_wait3A_128, %dma_wait3A_129] : memref<3x80x128xf32, #tpu.memory_space<vmem>> -> memref<1x80x128xf32, #tpu.memory_space<vmem>>
      %dma_wait3A_131 = tpu.memref_squeeze %dma_wait3A_130 : memref<1x80x128xf32, #tpu.memory_space<vmem>> -> memref<80x128xf32, #tpu.memory_space<vmem>>
      %dma_wait3A_132 = arith.constant 0 : i32
      %dma_wait3A_133 = arith.constant 0 : i32
      %dma_wait3A_134 = tpu.memref_slice %arg5[%dma_wait3A_132, %dma_wait3A_133] : memref<640x128xf32, #tpu.memory_space<hbm>> -> memref<80x128xf32, #tpu.memory_space<hbm>>
      tpu.wait_dma2 semaphore(%dma_wait3A_127 : memref<!tpu.dma_semaphore, #tpu.memory_space<semaphore_mem>>) src(%dma_wait3A_134 : memref<80x128xf32, #tpu.memory_space<hbm>>) dst(%dma_wait3A_131 : memref<80x128xf32, #tpu.memory_space<vmem>>)
      %dma_wait3A_135 = arith.constant 0 : i32
      %dma_wait3A_136 = arith.constant 0 : i32
      %dma_wait3A_137 = arith.constant 0 : i32
      %dma_wait3A_138 = tpu.memref_slice %arg10[%rem3A_119, %dma_wait3A_137] : memref<3x80xi32, #tpu.memory_space<vmem>> -> memref<1x80xi32, #tpu.memory_space<vmem>>
      %dma_wait3A_139 = tpu.memref_squeeze %dma_wait3A_138 : memref<1x80xi32, #tpu.memory_space<vmem>> -> memref<80xi32, #tpu.memory_space<vmem>>
      %dma_wait3A_140 = arith.constant 0 : i32
      %dma_wait3A_141 = tpu.memref_slice %arg3[%dma_wait3A_135, %dma_wait3A_136, %dma_wait3A_140] : memref<16x125x80xi32, #tpu.memory_space<hbm>> -> memref<1x1x80xi32, #tpu.memory_space<hbm>>
      %dma_wait3A_142 = tpu.memref_squeeze %dma_wait3A_141 : memref<1x1x80xi32, #tpu.memory_space<hbm>> -> memref<80xi32, #tpu.memory_space<hbm>>
      %dma_wait3A_143 = tpu.memref_slice %arg17[%rem3A_119] : memref<3x!tpu.dma_semaphore, #tpu.memory_space<semaphore_mem>> -> memref<1x!tpu.dma_semaphore, #tpu.memory_space<semaphore_mem>>
      %dma_wait3A_144 = tpu.memref_squeeze %dma_wait3A_143 : memref<1x!tpu.dma_semaphore, #tpu.memory_space<semaphore_mem>> -> memref<!tpu.dma_semaphore, #tpu.memory_space<semaphore_mem>>
      %dma_wait3A_145 = arith.constant 0 : i32
      %dma_wait3A_146 = tpu.memref_slice %arg10[%rem3A_119, %dma_wait3A_145] : memref<3x80xi32, #tpu.memory_space<vmem>> -> memref<1x80xi32, #tpu.memory_space<vmem>>
      %dma_wait3A_147 = tpu.memref_squeeze %dma_wait3A_146 : memref<1x80xi32, #tpu.memory_space<vmem>> -> memref<80xi32, #tpu.memory_space<vmem>>
      %dma_wait3A_148 = arith.constant 0 : i32
      %dma_wait3A_149 = tpu.memref_slice %arg3[%dma_wait3A_135, %dma_wait3A_136, %dma_wait3A_148] : memref<16x125x80xi32, #tpu.memory_space<hbm>> -> memref<1x1x80xi32, #tpu.memory_space<hbm>>
      %dma_wait3A_150 = tpu.memref_squeeze %dma_wait3A_149 : memref<1x1x80xi32, #tpu.memory_space<hbm>> -> memref<80xi32, #tpu.memory_space<hbm>>
      tpu.wait_dma2 semaphore(%dma_wait3A_144 : memref<!tpu.dma_semaphore, #tpu.memory_space<semaphore_mem>>) src(%dma_wait3A_150 : memref<80xi32, #tpu.memory_space<hbm>>) dst(%dma_wait3A_147 : memref<80xi32, #tpu.memory_space<vmem>>)
      "tpu.region"() ({
        %run_scoped3A = tpu.sem_alloc : memref<!tpu.dma_semaphore, #tpu.memory_space<semaphore_mem>>
        %dma_start3A_158 = arith.constant 0 : i32
        %dma_start3A_159 = arith.constant 0 : i32
        %dma_start3A_160 = tpu.memref_slice %arg12[%rem3A_119, %dma_start3A_158, %dma_start3A_159] : memref<3x80x128xf32, #tpu.memory_space<vmem>> -> memref<1x80x128xf32, #tpu.memory_space<vmem>>
        %dma_start3A_161 = tpu.memref_squeeze %dma_start3A_160 : memref<1x80x128xf32, #tpu.memory_space<vmem>> -> memref<80x128xf32, #tpu.memory_space<vmem>>
        %dma_start3A_162 = arith.constant 0 : i32
        %dma_start3A_163 = tpu.memref_slice %arg10[%rem3A_119, %dma_start3A_162] : memref<3x80xi32, #tpu.memory_space<vmem>> -> memref<1x80xi32, #tpu.memory_space<vmem>>
        %dma_start3A_164 = tpu.memref_squeeze %dma_start3A_163 : memref<1x80xi32, #tpu.memory_space<vmem>> -> memref<80xi32, #tpu.memory_space<vmem>>
        %dma_start3A_165 = arith.constant 0 : i32
        %dma_start3A_166 = arith.constant 0 : i32
        %dma_start3A_167 = tpu.memref_slice %arg14[%dma_start3A_165, %dma_start3A_166] : memref<10240x128xf32, #tpu.memory_space<vmem_shared>> -> memref<10240x128xf32, #tpu.memory_space<vmem_shared>>
        tpu.enqueue_indirect_dma source(%dma_start3A_161 : memref<80x128xf32, #tpu.memory_space<vmem>>) target(%dma_start3A_167 : memref<10240x128xf32, #tpu.memory_space<vmem_shared>>) offsets(%dma_start3A_164 : memref<80xi32, #tpu.memory_space<vmem>>) semaphore(%run_scoped3A : memref<!tpu.dma_semaphore, #tpu.memory_space<semaphore_mem>>) {add = true}
        %dma_wait3A_168 = arith.constant 0 : i32
        %dma_wait3A_169 = arith.constant 0 : i32
        %dma_wait3A_170 = tpu.memref_slice %arg12[%rem3A_119, %dma_wait3A_168, %dma_wait3A_169] : memref<3x80x128xf32, #tpu.memory_space<vmem>> -> memref<1x80x128xf32, #tpu.memory_space<vmem>>
        %dma_wait3A_171 = tpu.memref_squeeze %dma_wait3A_170 : memref<1x80x128xf32, #tpu.memory_space<vmem>> -> memref<80x128xf32, #tpu.memory_space<vmem>>
        %dma_wait3A_172 = arith.constant 0 : i32
        %dma_wait3A_173 = tpu.memref_slice %arg10[%rem3A_119, %dma_wait3A_172] : memref<3x80xi32, #tpu.memory_space<vmem>> -> memref<1x80xi32, #tpu.memory_space<vmem>>
        %dma_wait3A_174 = tpu.memref_squeeze %dma_wait3A_173 : memref<1x80xi32, #tpu.memory_space<vmem>> -> memref<80xi32, #tpu.memory_space<vmem>>
        %dma_wait3A_175 = arith.constant 0 : i32
        %dma_wait3A_176 = arith.constant 0 : i32
        %dma_wait3A_177 = tpu.memref_slice %arg14[%dma_wait3A_175, %dma_wait3A_176] : memref<10240x128xf32, #tpu.memory_space<vmem_shared>> -> memref<10240x128xf32, #tpu.memory_space<vmem_shared>>
        tpu.wait_indirect_dma semaphore(%run_scoped3A : memref<!tpu.dma_semaphore, #tpu.memory_space<semaphore_mem>>) src(%dma_wait3A_171 : memref<80x128xf32, #tpu.memory_space<vmem>>) dst(%dma_wait3A_177 : memref<10240x128xf32, #tpu.memory_space<vmem_shared>>)
        tpu.yield
      }) : () -> ()
      %rem3A_151 = arith.constant 2 : i32
      %rem3A_152 = arith.remsi %scan3A_118, %rem3A_151 : i32
      %eq3A = arith.cmpi eq, %rem3A_152, %arg0 : i32
      %convert_element_type3A = arith.extui %eq3A : i1 to i32
      %cond3A = arith.constant 0 : i32
      %cond3A_153 = arith.cmpi ne, %convert_element_type3A, %cond3A : i32
      scf.if %cond3A_153 {
        "tpu.region"() ({
          %run_scoped3A = tpu.sem_alloc : memref<!tpu.dma_semaphore, #tpu.memory_space<semaphore_mem>>
          %dma_start3A_158 = arith.constant 0 : i32
          %dma_start3A_159 = tpu.memref_slice %arg10[%rem3A_119, %dma_start3A_158] : memref<3x80xi32, #tpu.memory_space<vmem>> -> memref<1x80xi32, #tpu.memory_space<vmem>>
          %dma_start3A_160 = tpu.memref_squeeze %dma_start3A_159 : memref<1x80xi32, #tpu.memory_space<vmem>> -> memref<80xi32, #tpu.memory_space<vmem>>
          %dma_start3A_161 = arith.constant 0 : i32
          %dma_start3A_162 = tpu.memref_slice %arg15[%dma_start3A_161] : memref<10240xf32, #tpu.memory_space<vmem_shared>> -> memref<10240xf32, #tpu.memory_space<vmem_shared>>
          tpu.enqueue_indirect_dma source(%arg13 : memref<80xf32, #tpu.memory_space<vmem>>) target(%dma_start3A_162 : memref<10240xf32, #tpu.memory_space<vmem_shared>>) offsets(%dma_start3A_160 : memref<80xi32, #tpu.memory_space<vmem>>) semaphore(%run_scoped3A : memref<!tpu.dma_semaphore, #tpu.memory_space<semaphore_mem>>) {add = true}
          %dma_wait3A_163 = arith.constant 0 : i32
          %dma_wait3A_164 = tpu.memref_slice %arg10[%rem3A_119, %dma_wait3A_163] : memref<3x80xi32, #tpu.memory_space<vmem>> -> memref<1x80xi32, #tpu.memory_space<vmem>>
          %dma_wait3A_165 = tpu.memref_squeeze %dma_wait3A_164 : memref<1x80xi32, #tpu.memory_space<vmem>> -> memref<80xi32, #tpu.memory_space<vmem>>
          %dma_wait3A_166 = arith.constant 0 : i32
          %dma_wait3A_167 = tpu.memref_slice %arg15[%dma_wait3A_166] : memref<10240xf32, #tpu.memory_space<vmem_shared>> -> memref<10240xf32, #tpu.memory_space<vmem_shared>>
          tpu.wait_indirect_dma semaphore(%run_scoped3A : memref<!tpu.dma_semaphore, #tpu.memory_space<semaphore_mem>>) src(%arg13 : memref<80xf32, #tpu.memory_space<vmem>>) dst(%dma_wait3A_167 : memref<10240xf32, #tpu.memory_space<vmem_shared>>)
          tpu.yield
        }) : () -> ()
      } else {
      }
      %lt3A = arith.constant 122 : i32
      %lt3A_154 = arith.cmpi slt, %scan3A_118, %lt3A : i32
      %convert_element_type3A_155 = arith.extui %lt3A_154 : i1 to i32
      %cond3A_156 = arith.constant 0 : i32
      %cond3A_157 = arith.cmpi ne, %convert_element_type3A_155, %cond3A_156 : i32
      scf.if %cond3A_157 {
        %add3A = arith.constant 3 : i32
        %add3A_158 = arith.addi %scan3A_118, %add3A : i32
        %mul3A_159 = arith.constant 80 : i32
        %mul3A_160 = arith.muli %add3A_158, %mul3A_159 : i32
        %dma_start3A_161 = arith.constant 0 : i32
        %dma_start3A_162 = arith.constant 0 : i32
        %dma_start3A_163 = tpu.memref_slice %arg12[%rem3A_119, %dma_start3A_161, %dma_start3A_162] : memref<3x80x128xf32, #tpu.memory_space<vmem>> -> memref<1x80x128xf32, #tpu.memory_space<vmem>>
        %dma_start3A_164 = tpu.memref_squeeze %dma_start3A_163 : memref<1x80x128xf32, #tpu.memory_space<vmem>> -> memref<80x128xf32, #tpu.memory_space<vmem>>
        %dma_start3A_165 = tpu.memref_slice %arg11[%mul3A_160] : memref<10000xi32, #tpu.memory_space<vmem>> -> memref<80xi32, #tpu.memory_space<vmem>>
        %dma_start3A_166 = arith.constant 0 : i32
        %dma_start3A_167 = arith.constant 0 : i32
        %dma_start3A_168 = tpu.memref_slice %arg2[%arg0, %dma_start3A_166, %dma_start3A_167] : memref<2x10000x128xf32, #tpu.memory_space<hbm>> -> memref<1x10000x128xf32, #tpu.memory_space<hbm>>
        %dma_start3A_169 = tpu.memref_squeeze %dma_start3A_168 : memref<1x10000x128xf32, #tpu.memory_space<hbm>> -> memref<10000x128xf32, #tpu.memory_space<hbm>>
        %dma_start3A_170 = arith.constant 0 : i32
        %dma_start3A_171 = arith.constant 0 : i32
        %dma_start3A_172 = tpu.memref_slice %dma_start3A_169[%dma_start3A_170, %dma_start3A_171] : memref<10000x128xf32, #tpu.memory_space<hbm>> -> memref<10000x128xf32, #tpu.memory_space<hbm>>
        %dma_start3A_173 = tpu.memref_slice %arg16[%rem3A_119] : memref<3x!tpu.dma_semaphore, #tpu.memory_space<semaphore_mem>> -> memref<1x!tpu.dma_semaphore, #tpu.memory_space<semaphore_mem>>
        %dma_start3A_174 = tpu.memref_squeeze %dma_start3A_173 : memref<1x!tpu.dma_semaphore, #tpu.memory_space<semaphore_mem>> -> memref<!tpu.dma_semaphore, #tpu.memory_space<semaphore_mem>>
        tpu.enqueue_indirect_dma source(%dma_start3A_172 : memref<10000x128xf32, #tpu.memory_space<hbm>>) target(%dma_start3A_164 : memref<80x128xf32, #tpu.memory_space<vmem>>) offsets(%dma_start3A_165 : memref<80xi32, #tpu.memory_space<vmem>>) semaphore(%dma_start3A_174 : memref<!tpu.dma_semaphore, #tpu.memory_space<semaphore_mem>>)
        %dma_start3A_175 = arith.constant 0 : i32
        %dma_start3A_176 = tpu.memref_slice %arg10[%rem3A_119, %dma_start3A_175] : memref<3x80xi32, #tpu.memory_space<vmem>> -> memref<1x80xi32, #tpu.memory_space<vmem>>
        %dma_start3A_177 = tpu.memref_squeeze %dma_start3A_176 : memref<1x80xi32, #tpu.memory_space<vmem>> -> memref<80xi32, #tpu.memory_space<vmem>>
        %dma_start3A_178 = arith.constant 0 : i32
        %dma_start3A_179 = tpu.memref_slice %arg3[%arg1, %add3A_158, %dma_start3A_178] : memref<16x125x80xi32, #tpu.memory_space<hbm>> -> memref<1x1x80xi32, #tpu.memory_space<hbm>>
        %dma_start3A_180 = tpu.memref_squeeze %dma_start3A_179 : memref<1x1x80xi32, #tpu.memory_space<hbm>> -> memref<80xi32, #tpu.memory_space<hbm>>
        %dma_start3A_181 = tpu.memref_slice %arg17[%rem3A_119] : memref<3x!tpu.dma_semaphore, #tpu.memory_space<semaphore_mem>> -> memref<1x!tpu.dma_semaphore, #tpu.memory_space<semaphore_mem>>
        %dma_start3A_182 = tpu.memref_squeeze %dma_start3A_181 : memref<1x!tpu.dma_semaphore, #tpu.memory_space<semaphore_mem>> -> memref<!tpu.dma_semaphore, #tpu.memory_space<semaphore_mem>>
        %dma_start3A_183 = arith.constant 0 : i32
        %dma_start3A_184 = tpu.memref_slice %arg10[%rem3A_119, %dma_start3A_183] : memref<3x80xi32, #tpu.memory_space<vmem>> -> memref<1x80xi32, #tpu.memory_space<vmem>>
        %dma_start3A_185 = tpu.memref_squeeze %dma_start3A_184 : memref<1x80xi32, #tpu.memory_space<vmem>> -> memref<80xi32, #tpu.memory_space<vmem>>
        %dma_start3A_186 = arith.constant 0 : i32
        %dma_start3A_187 = tpu.memref_slice %arg3[%arg1, %add3A_158, %dma_start3A_186] : memref<16x125x80xi32, #tpu.memory_space<hbm>> -> memref<1x1x80xi32, #tpu.memory_space<hbm>>
        %dma_start3A_188 = tpu.memref_squeeze %dma_start3A_187 : memref<1x1x80xi32, #tpu.memory_space<hbm>> -> memref<80xi32, #tpu.memory_space<hbm>>
        tpu.enqueue_dma source(%dma_start3A_188 : memref<80xi32, #tpu.memory_space<hbm>>) target(%dma_start3A_185 : memref<80xi32, #tpu.memory_space<vmem>>) target_semaphore(%dma_start3A_182 : memref<!tpu.dma_semaphore, #tpu.memory_space<semaphore_mem>>)
      } else {
      }
    }
    %scan3A_108 = arith.constant 125 : i32
    %barrier3A_109 = arith.constant 0 : index
    tpu.barrier barrier_id(%barrier3A_109)
    %mul3A_110 = arith.constant 640 : i32
    %mul3A_111 = arith.muli %arg1, %mul3A_110 : i32
    %mul3A_112 = arith.constant 640 : i32
    %mul3A_113 = arith.muli %arg1, %mul3A_112 : i32
    "tpu.region"() ({
      %run_scoped3A = tpu.sem_alloc : memref<!tpu.dma_semaphore, #tpu.memory_space<semaphore_mem>>
      %dma_start3A_118 = arith.constant 0 : i32
      %dma_start3A_119 = tpu.memref_slice %arg8[%arg0, %mul3A_113, %dma_start3A_118] : memref<2x10240x128xf32, #tpu.memory_space<hbm>> -> memref<1x640x128xf32, #tpu.memory_space<hbm>>
      %dma_start3A_120 = tpu.memref_squeeze %dma_start3A_119 : memref<1x640x128xf32, #tpu.memory_space<hbm>> -> memref<640x128xf32, #tpu.memory_space<hbm>>
      %dma_start3A_121 = arith.constant 0 : i32
      %dma_start3A_122 = tpu.memref_slice %arg14[%mul3A_111, %dma_start3A_121] : memref<10240x128xf32, #tpu.memory_space<vmem_shared>> -> memref<640x128xf32, #tpu.memory_space<vmem_shared>>
      tpu.enqueue_dma source(%dma_start3A_122 : memref<640x128xf32, #tpu.memory_space<vmem_shared>>) target(%dma_start3A_120 : memref<640x128xf32, #tpu.memory_space<hbm>>) target_semaphore(%run_scoped3A : memref<!tpu.dma_semaphore, #tpu.memory_space<semaphore_mem>>)
      %dma_wait3A = arith.constant 0 : i32
      %dma_wait3A_123 = tpu.memref_slice %arg8[%arg0, %mul3A_113, %dma_wait3A] : memref<2x10240x128xf32, #tpu.memory_space<hbm>> -> memref<1x640x128xf32, #tpu.memory_space<hbm>>
      %dma_wait3A_124 = tpu.memref_squeeze %dma_wait3A_123 : memref<1x640x128xf32, #tpu.memory_space<hbm>> -> memref<640x128xf32, #tpu.memory_space<hbm>>
      %dma_wait3A_125 = arith.constant 0 : i32
      %dma_wait3A_126 = tpu.memref_slice %arg14[%mul3A_111, %dma_wait3A_125] : memref<10240x128xf32, #tpu.memory_space<vmem_shared>> -> memref<640x128xf32, #tpu.memory_space<vmem_shared>>
      tpu.wait_dma2 semaphore(%run_scoped3A : memref<!tpu.dma_semaphore, #tpu.memory_space<semaphore_mem>>) src(%dma_wait3A_126 : memref<640x128xf32, #tpu.memory_space<vmem_shared>>) dst(%dma_wait3A_124 : memref<640x128xf32, #tpu.memory_space<hbm>>)
      tpu.yield
    }) : () -> ()
    %mul3A_114 = arith.constant 640 : i32
    %mul3A_115 = arith.muli %arg1, %mul3A_114 : i32
    %mul3A_116 = arith.constant 640 : i32
    %mul3A_117 = arith.muli %arg1, %mul3A_116 : i32
    "tpu.region"() ({
      %run_scoped3A = tpu.sem_alloc : memref<!tpu.dma_semaphore, #tpu.memory_space<semaphore_mem>>
      %dma_start3A_118 = tpu.memref_slice %arg9[%arg0, %mul3A_117] : memref<2x10240xf32, #tpu.memory_space<hbm>> -> memref<1x640xf32, #tpu.memory_space<hbm>>
      %dma_start3A_119 = tpu.memref_squeeze %dma_start3A_118 : memref<1x640xf32, #tpu.memory_space<hbm>> -> memref<640xf32, #tpu.memory_space<hbm>>
      %dma_start3A_120 = tpu.memref_slice %arg15[%mul3A_115] : memref<10240xf32, #tpu.memory_space<vmem_shared>> -> memref<640xf32, #tpu.memory_space<vmem_shared>>
      tpu.enqueue_dma source(%dma_start3A_120 : memref<640xf32, #tpu.memory_space<vmem_shared>>) target(%dma_start3A_119 : memref<640xf32, #tpu.memory_space<hbm>>) target_semaphore(%run_scoped3A : memref<!tpu.dma_semaphore, #tpu.memory_space<semaphore_mem>>)
      %dma_wait3A = tpu.memref_slice %arg9[%arg0, %mul3A_117] : memref<2x10240xf32, #tpu.memory_space<hbm>> -> memref<1x640xf32, #tpu.memory_space<hbm>>
      %dma_wait3A_121 = tpu.memref_squeeze %dma_wait3A : memref<1x640xf32, #tpu.memory_space<hbm>> -> memref<640xf32, #tpu.memory_space<hbm>>
      %dma_wait3A_122 = tpu.memref_slice %arg15[%mul3A_115] : memref<10240xf32, #tpu.memory_space<vmem_shared>> -> memref<640xf32, #tpu.memory_space<vmem_shared>>
      tpu.wait_dma2 semaphore(%run_scoped3A : memref<!tpu.dma_semaphore, #tpu.memory_space<semaphore_mem>>) src(%dma_wait3A_122 : memref<640xf32, #tpu.memory_space<vmem_shared>>) dst(%dma_wait3A_121 : memref<640xf32, #tpu.memory_space<hbm>>)
      tpu.yield
    }) : () -> ()
    return
  }
}

module attributes {stable_mosaic.version = 14 : i64} {
  func.func @sage_tc_fuse(%arg0: i32, %arg1: memref<2000x256xf32, #tpu.memory_space<vmem>>, %arg2: memref<2x2000x128xf32, #tpu.memory_space<vmem>>, %arg3: memref<2000x1xf32, #tpu.memory_space<vmem>>, %arg4: memref<2000x1xf32, #tpu.memory_space<vmem>>, %arg5: memref<256x256xf32, #tpu.memory_space<vmem>>, %arg6: memref<128x256xf32, #tpu.memory_space<vmem>>, %arg7: memref<128x256xf32, #tpu.memory_space<vmem>>, %arg8: memref<1x256xf32, #tpu.memory_space<vmem>>, %arg9: memref<2000x256xf32, #tpu.memory_space<vmem>>) attributes {dimension_semantics = [#tpu.dimension_semantics<arbitrary>], iteration_bounds = array<i64: 5>, scalar_prefetch = 0 : i64, scratch_operands = 0 : i64, tpu.core_type = #tpu.core_type<tc>, window_params = [{transform_indices = @transform_0, window_bounds = array<i64: 2000, 256>}, {transform_indices = @transform_1, window_bounds = array<i64: 2, 2000, 128>}, {transform_indices = @transform_2, window_bounds = array<i64: 2000, 1>}, {transform_indices = @transform_3, window_bounds = array<i64: 2000, 1>}, {pipeline_mode = #tpu.pipeline_mode<synchronous>, transform_indices = @transform_4, window_bounds = array<i64: 256, 256>}, {pipeline_mode = #tpu.pipeline_mode<synchronous>, transform_indices = @transform_5, window_bounds = array<i64: 128, 256>}, {pipeline_mode = #tpu.pipeline_mode<synchronous>, transform_indices = @transform_6, window_bounds = array<i64: 128, 256>}, {pipeline_mode = #tpu.pipeline_mode<synchronous>, transform_indices = @transform_7, window_bounds = array<i64: 1, 256>}, {transform_indices = @transform_8, window_bounds = array<i64: 2000, 256>}]} {
    %get3A = arith.constant 0 : index
    %get3A_0 = arith.constant 0 : index
    %get3A_1 = vector.load %arg3[%get3A, %get3A_0] : memref<2000x1xf32, #tpu.memory_space<vmem>>, vector<2000x1xf32>
    %get3A_2 = arith.constant 0 : index
    %get3A_3 = arith.constant 0 : index
    %get3A_4 = vector.load %arg4[%get3A_2, %get3A_3] : memref<2000x1xf32, #tpu.memory_space<vmem>>, vector<2000x1xf32>
    %add3A = arith.addf %get3A_1, %get3A_4 : vector<2000x1xf32>
    %add3A_5 = arith.constant 9.99999997E-7 : f32
    %add3A_6 = vector.broadcast %add3A_5 : f32 to vector<2000x1xf32>
    %add3A_7 = arith.addf %add3A, %add3A_6 : vector<2000x1xf32>
    %div3A = arith.constant 1.000000e+00 : f32
    %div3A_8 = vector.broadcast %div3A : f32 to vector<2000x1xf32>
    %div3A_9 = arith.divf %div3A_8, %add3A_7 : vector<2000x1xf32>
    %get3A_10 = arith.constant 0 : index
    %get3A_11 = arith.constant 0 : index
    %get3A_12 = vector.load %arg1[%get3A_10, %get3A_11] : memref<2000x256xf32, #tpu.memory_space<vmem>>, vector<2000x256xf32>
    %get3A_13 = arith.constant 0 : index
    %get3A_14 = arith.constant 0 : index
    %get3A_15 = vector.load %arg5[%get3A_13, %get3A_14] : memref<256x256xf32, #tpu.memory_space<vmem>>, vector<256x256xf32>
    %dot_general3A = arith.constant dense<0.000000e+00> : vector<2000x256xf32>
    %dot_general3A_16 = tpu.matmul %get3A_12, %get3A_15, %dot_general3A {dimension_numbers = #tpu.dot_dimension_numbers<[1], [0], [0], [1], [0, 0, 1, 1], [], []>, transpose_lhs_hint = false} : vector<2000x256xf32>, vector<256x256xf32>, vector<2000x256xf32> -> vector<2000x256xf32>
    %get3A_17 = arith.constant 0 : index
    %get3A_18 = arith.constant 0 : index
    %get3A_19 = arith.constant 0 : index
    %get3A_20 = vector.load %arg2[%get3A_17, %get3A_18, %get3A_19] : memref<2x2000x128xf32, #tpu.memory_space<vmem>>, vector<1x2000x128xf32>
    %get3A_21 = vector.shape_cast %get3A_20 : vector<1x2000x128xf32> to vector<2000x128xf32>
    %mul3A = vector.broadcast %div3A_9 : vector<2000x1xf32> to vector<2000x128xf32>
    %mul3A_22 = arith.mulf %get3A_21, %mul3A : vector<2000x128xf32>
    %get3A_23 = arith.constant 0 : index
    %get3A_24 = arith.constant 0 : index
    %get3A_25 = vector.load %arg6[%get3A_23, %get3A_24] : memref<128x256xf32, #tpu.memory_space<vmem>>, vector<128x256xf32>
    %dot_general3A_26 = arith.constant dense<0.000000e+00> : vector<2000x256xf32>
    %dot_general3A_27 = tpu.matmul %mul3A_22, %get3A_25, %dot_general3A_26 {dimension_numbers = #tpu.dot_dimension_numbers<[1], [0], [0], [1], [0, 0, 1, 1], [], []>, transpose_lhs_hint = false} : vector<2000x128xf32>, vector<128x256xf32>, vector<2000x256xf32> -> vector<2000x256xf32>
    %add3A_28 = arith.addf %dot_general3A_16, %dot_general3A_27 : vector<2000x256xf32>
    %get3A_29 = arith.constant 1 : index
    %get3A_30 = arith.constant 0 : index
    %get3A_31 = arith.constant 0 : index
    %get3A_32 = vector.load %arg2[%get3A_29, %get3A_30, %get3A_31] : memref<2x2000x128xf32, #tpu.memory_space<vmem>>, vector<1x2000x128xf32>
    %get3A_33 = vector.shape_cast %get3A_32 : vector<1x2000x128xf32> to vector<2000x128xf32>
    %mul3A_34 = vector.broadcast %div3A_9 : vector<2000x1xf32> to vector<2000x128xf32>
    %mul3A_35 = arith.mulf %get3A_33, %mul3A_34 : vector<2000x128xf32>
    %get3A_36 = arith.constant 0 : index
    %get3A_37 = arith.constant 0 : index
    %get3A_38 = vector.load %arg7[%get3A_36, %get3A_37] : memref<128x256xf32, #tpu.memory_space<vmem>>, vector<128x256xf32>
    %dot_general3A_39 = arith.constant dense<0.000000e+00> : vector<2000x256xf32>
    %dot_general3A_40 = tpu.matmul %mul3A_35, %get3A_38, %dot_general3A_39 {dimension_numbers = #tpu.dot_dimension_numbers<[1], [0], [0], [1], [0, 0, 1, 1], [], []>, transpose_lhs_hint = false} : vector<2000x128xf32>, vector<128x256xf32>, vector<2000x256xf32> -> vector<2000x256xf32>
    %add3A_41 = arith.addf %add3A_28, %dot_general3A_40 : vector<2000x256xf32>
    %get3A_42 = arith.constant 0 : index
    %get3A_43 = arith.constant 0 : index
    %get3A_44 = vector.load %arg8[%get3A_42, %get3A_43] : memref<1x256xf32, #tpu.memory_space<vmem>>, vector<1x256xf32>
    %add3A_45 = vector.broadcast %get3A_44 : vector<1x256xf32> to vector<2000x256xf32>
    %add3A_46 = arith.addf %add3A_41, %add3A_45 : vector<2000x256xf32>
    %max3A = arith.constant 0.000000e+00 : f32
    %max3A_47 = vector.broadcast %max3A : f32 to vector<2000x256xf32>
    %max3A_48 = arith.maximumf %add3A_46, %max3A_47 : vector<2000x256xf32>
    %swap3A = arith.constant 0 : index
    %swap3A_49 = arith.constant 0 : index
    %swap3A_50 = vector.load %arg9[%swap3A, %swap3A_49] : memref<2000x256xf32, #tpu.memory_space<vmem>>, vector<2000x256xf32>
    tpu.vector_store %arg9[%swap3A, %swap3A_49], %max3A_48 {strides = array<i32>} : memref<2000x256xf32, #tpu.memory_space<vmem>>, vector<2000x256xf32>,
    return
  }
  func.func @transform_0(%arg0: i32) -> (i32, i32) {
    %c0_i32 = arith.constant 0 : i32
    %c0_i32_0 = arith.constant 0 : i32
    return %arg0, %c0_i32 : i32, i32
  }
  func.func @transform_1(%arg0: i32) -> (i32, i32, i32) {
    %c0_i32 = arith.constant 0 : i32
    %c0_i32_0 = arith.constant 0 : i32
    %c0_i32_1 = arith.constant 0 : i32
    return %c0_i32, %arg0, %c0_i32_0 : i32, i32, i32
  }
  func.func @transform_2(%arg0: i32) -> (i32, i32) {
    %c0_i32 = arith.constant 0 : i32
    %c0_i32_0 = arith.constant 0 : i32
    return %arg0, %c0_i32 : i32, i32
  }
  func.func @transform_3(%arg0: i32) -> (i32, i32) {
    %c0_i32 = arith.constant 0 : i32
    %c0_i32_0 = arith.constant 0 : i32
    return %arg0, %c0_i32 : i32, i32
  }
  func.func @transform_4(%arg0: i32) -> (i32, i32) {
    %c0_i32 = arith.constant 0 : i32
    %c0_i32_0 = arith.constant 0 : i32
    %c0_i32_1 = arith.constant 0 : i32
    return %c0_i32, %c0_i32_0 : i32, i32
  }
  func.func @transform_5(%arg0: i32) -> (i32, i32) {
    %c0_i32 = arith.constant 0 : i32
    %c0_i32_0 = arith.constant 0 : i32
    %c0_i32_1 = arith.constant 0 : i32
    return %c0_i32, %c0_i32_0 : i32, i32
  }
  func.func @transform_6(%arg0: i32) -> (i32, i32) {
    %c0_i32 = arith.constant 0 : i32
    %c0_i32_0 = arith.constant 0 : i32
    %c0_i32_1 = arith.constant 0 : i32
    return %c0_i32, %c0_i32_0 : i32, i32
  }
  func.func @transform_7(%arg0: i32) -> (i32, i32) {
    %c0_i32 = arith.constant 0 : i32
    %c0_i32_0 = arith.constant 0 : i32
    %c0_i32_1 = arith.constant 0 : i32
    return %c0_i32, %c0_i32_0 : i32, i32
  }
  func.func @transform_8(%arg0: i32) -> (i32, i32) {
    %c0_i32 = arith.constant 0 : i32
    %c0_i32_0 = arith.constant 0 : i32
    return %arg0, %c0_i32 : i32, i32
  }
}

</mosaic_0001>

<sc_bundles>
// kernel: sage_sc_aggregate.3.cloned.1.call-start
scs
__scs_entry_jumppad:
0x0: {  	(pc) =	sbr.rel $0x88, $3  }
0x1: {  	(tag) =	ssettag $0x0;
	lr =	simm.s32 $0x1  }
0x2: {  	[smem:$0x3F9D] =	sst lr;
	_ =	strace $0xD0000000  }
0x3: {  	_ = 	snop  }
0x4: {  	_ = 	snop  }
0x5: {  	_ = 	snop  }
0x6: {  	_ = 	snop  }
0x7: {  	_ = 	snop  }
__scs_overlays_trampoline_lowered:
0x8: {  	[smem:$0x3FAC] =	sst s0  }
0x9: {  	[smem:$0x3FAD] =	sst s1  }
0xa: {  	[smem:$0x3FAE] =	sst s2  }
0xb: {  	[smem:$0x3FAF] =	sst s3  }
0xc: {  	[smem:$0x3FB0] =	sst s4  }
0xd: {  	[smem:$0x3FB1] =	sst s5  }
0xe: {  	[smem:$0x3FB2] =	sst s6  }
0xf: {  	[smem:$0x3FB3] =	sst s7  }
0x10: {  	[smem:$0x3FB4] =	sst s8  }
0x11: {  	[smem:$0x3FB5] =	sst s9;
	s0 =	simm.s32 @!p0 $0x0  }
0x12: {  	s1 =	sld [smem:$0x3F9B];
	s0 =	simm.s32 @p0 $0x1  }
0x13: {  	[smem:$0x3FB6] =	sst s0;
	s0 =	simm.s32 @!p1 $0x0  }
0x14: {  	s2 =	sld [smem:$0x3F9A];
	s0 =	simm.s32 @p1 $0x1  }
0x15: {  	[smem:$0x3FB7] =	sst s0;
	s0 =	simm.s32 @!p2 $0x0  }
0x16: {  	s3 =	sld [smem:$0x3FDB];
	s0 =	simm.s32 @p2 $0x1  }
0x17: {  	s4 =	simm.s32 $0x1BF5;
	[smem:$0x3FB9] =	sst s0  }
0x18: {  	s0 =	sld [smem:$0x3F9C];
	_ =	swait.ge [sflag:s4], $0x0  }
0x19: {  	s7 =	sld [smem:$0x3F9D]  }
0x1a: {  	s8 =	sadd.s32 $0xFFFFE003, lr  }
0x1b: {  	s9 =	sadd.s32 $0xFFFFFEF7, lr;
	s5 =	simm.s32 $0xFFFFFFFF;
	p2 =	slt.u32 s8, $0xFFFFF086  }
0x1c: {  	p1 =	slt.u32 s9, $0xF7A;
	s5 =	simm.s32 @!p2 $0x0  }
0x1d: {  	s5 =	simm.s32 @p1 $0x1;
	p0 =	seq.s32 s7, s2  }
0x1e: {  	s7 =	smul.u32 @!p0 $0xF7A, s2;
	p2 =	seq.s32 @!p0 s5, $0x0  }
0x1f: {  	s9 =	smul.u32 $0xF7A, s1;
	s8 =	simm.s32 @!p0 $0x1BF5;
	p2 =	por !p2, p0  }
0x20: {  	[sflag:s8] =	ssyncset.s32 @!p0 $0xFFFFF086;
	s6 =	sadd.s32 @!p0 s3, s7;
	s7 =	simm.s32 @!p0 $0x108  }
0x21: {  	s3 =	sadd.s32 s3, s9;
	s6 =	sadd.s32 @!p0 $0x88, s6;
	s7 =	simm.s32 @p2 $0x1082  }
0x22: {  	[simem:s7], [sflag:s8] =	dma.local @!p0 [hbm:s6], $0xF7A  }
0x23: {  	s9 =	sor.u32 $0xD0000000, s2;
	s6 =	simm.s32 $0x108;
	_ =	swait.ge @!p0 [sflag:s8], $0x0  }
0x24: {  	s3 =	sadd.s32 $0x88, s3;
	s6 =	simm.s32 @!p1 $0x1082;
	[sflag:s4] =	ssyncset.s32 $0xFFFFF086  }
0x25: {  	[simem:s6], [sflag:s4] =	dma.local [hbm:s3], $0xF7A  }
0x26: {  	[smem:$0x3F9D] =	sst s1;
	(tag) =	ssettag s2;
	_ =	strace s9  }
0x27: {  	s1 =	sld [smem:$0x3FAD]  }
0x28: {  	s2 =	sld [smem:$0x3FAE]  }
0x29: {  	s4 =	sld [smem:$0x3FB0]  }
0x2a: {  	p0 =	seq.s32 s5, $0x0;
	s5 =	sld [smem:$0x3FB1]  }
0x2b: {  	s6 =	sld [smem:$0x3FB2]  }
0x2c: {  	s7 =	sld [smem:$0x3FB3]  }
0x2d: {  	s3 =	simm.s32 $0x108;
	s8 =	sld [smem:$0x3FB4]  }
0x2e: {  	s3 =	simm.s32 @!p0 $0x1082;
	s9 =	sld [smem:$0x3FB5]  }
0x2f: {  	lr =	sadd.s32 s0, s3;
	s0 =	sld [smem:$0x3FAC]  }
0x30: {  	s3 =	sld [smem:$0x3FAF]  }
0x31: {  	[smem:$0x3FB8] =	sst s10  }
0x32: {  	s10 =	sld [smem:$0x3FB6];
	_ =	sdelay $0x3  }
0x33: {  	p0 =	seq.s32 s10, $0x1;
	s10 =	sld [smem:$0x3FB8];
	_ =	sdelay $0x3  }
0x34: {  	[smem:$0x3FB8] =	sst s10  }
0x35: {  	s10 =	sld [smem:$0x3FB7];
	_ =	sdelay $0x3  }
0x36: {  	p1 =	seq.s32 s10, $0x1;
	s10 =	sld [smem:$0x3FB8];
	_ =	sdelay $0x3  }
0x37: {  	[smem:$0x3FB8] =	sst s10  }
0x38: {  	s10 =	sld [smem:$0x3FB9]  }
0x39: {  	_ = 	snop;
	(pc) =	sbr.ind lr, $3  }
0x3a: {  	_ = 	snop  }
0x3b: {  	_ = 	snop  }
0x3c: {  	p2 =	seq.s32 s10, $0x1;
	s10 =	sld [smem:$0x3FB8]  }
0x3d: {  	_ =	shalt  }
0x3e: {  	_ =	shalt  }
0x3f: {  	_ =	shalt  }
0x40: {  	_ =	shalt  }
0x41: {  	_ =	shalt  }
0x42: {  	_ =	shalt  }
0x43: {  	_ =	shalt  }
0x44: {  	_ =	shalt  }
0x45: {  	_ =	shalt  }
0x46: {  	_ =	shalt  }
0x47: {  	_ =	shalt  }
0x48: {  	_ =	shalt  }
0x49: {  	_ =	shalt  }
0x4a: {  	_ =	shalt  }
0x4b: {  	_ =	shalt  }
0x4c: {  	_ =	shalt  }
0x4d: {  	_ =	shalt  }
0x4e: {  	_ =	shalt  }
0x4f: {  	_ =	shalt  }
0x50: {  	_ =	shalt  }
0x51: {  	_ =	shalt  }
0x52: {  	_ =	shalt  }
0x53: {  	_ =	shalt  }
0x54: {  	_ =	shalt  }
0x55: {  	_ =	shalt  }
0x56: {  	_ =	shalt  }
0x57: {  	_ =	shalt  }
0x58: {  	_ =	shalt  }
0x59: {  	_ =	shalt  }
0x5a: {  	_ =	shalt  }
0x5b: {  	_ =	shalt  }
0x5c: {  	_ =	shalt  }
0x5d: {  	_ =	shalt  }
0x5e: {  	_ =	shalt  }
0x5f: {  	_ =	shalt  }
0x60: {  	_ =	shalt  }
0x61: {  	_ =	shalt  }
0x62: {  	_ =	shalt  }
0x63: {  	_ =	shalt  }
0x64: {  	_ =	shalt  }
0x65: {  	_ =	shalt  }
0x66: {  	_ =	shalt  }
0x67: {  	_ =	shalt  }
0x68: {  	_ =	shalt  }
0x69: {  	_ =	shalt  }
0x6a: {  	_ =	shalt  }
0x6b: {  	_ =	shalt  }
0x6c: {  	_ =	shalt  }
0x6d: {  	_ =	shalt  }
0x6e: {  	_ =	shalt  }
0x6f: {  	_ =	shalt  }
0x70: {  	_ =	shalt  }
0x71: {  	_ =	shalt  }
0x72: {  	_ =	shalt  }
0x73: {  	_ =	shalt  }
0x74: {  	_ =	shalt  }
0x75: {  	_ =	shalt  }
0x76: {  	_ =	shalt  }
0x77: {  	_ =	shalt  }
0x78: {  	_ =	shalt  }
0x79: {  	_ =	shalt  }
0x7a: {  	_ =	shalt  }
0x7b: {  	_ =	shalt  }
0x7c: {  	_ =	shalt  }
0x7d: {  	_ =	shalt  }
0x7e: {  	_ =	shalt  }
0x7f: {  	_ =	shalt  }
0x80: {  	_ =	shalt  }
0x81: {  	_ =	shalt  }
0x82: {  	_ =	shalt  }
0x83: {  	_ =	shalt  }
0x84: {  	_ =	shalt  }
0x85: {  	_ =	shalt  }
0x86: {  	_ =	shalt  }
0x87: {  	_ =	shalt  }
.Lfunc_end0:
.L_simem_size_0:
called_computation_lowered:
.L_overlay_start_0:
0x88: {  	s2 =	sld [smem:$0x3FD9]  }
0x89: {  	s3 =	sld [smem:$0x3FFE];
	_ =	sdelay $0x1  }
0x8a: {  	s1 =	srdreg.scid  }
0x8b: {  	s0 =	sand.u32 $0x1, s1  }
0x8c: {  	s17 =	sshll.u32 s0, $0xA;
	s2 =	sadd.s32 s3, s2  }
0x8d: {  	s2 =	sadd.s32 s2, s17  }
0x8e: {  	[smem:$0x3FC4] =	sst s2  }
0x8f: {  	_ = 	snop  }
0x90: {  	s2 =	sld [smem:$0x3FD0];
	(tm) =	ssettm $0x1  }
0x91: {  	s18 =	sld [smem:$0x3FFB];
	_ =	sdelay $0x3  }
0x92: {  	_ =	strace s18  }
0x93: {  	s3 =	sld [smem:$0x3FFC];
	_ =	sdelay $0x3  }
0x94: {  	_ =	strace s3  }
0x95: {  	s3 =	sld [smem:$0x3FFD];
	_ =	sdelay $0x3  }
0x96: {  	_ =	strace s3  }
0x97: {  	_ =	strace $0x8FFFFFFF  }
0x98: {  	s19 =	sld [smem:$0x3FDB];
	_ =	sdelay $0x1  }
0x99: {  	s4 =	simm.s32 $_scs_section_size  }
0x9a: {  	s5 =	simm.s32 $_size__tile_overlayer_lowered;
	s6 =	simm.s32 $_tile_overlayer_lowered  }
0x9b: {  	s22 =	simm.s32 $0x1BFF;
	s21 =	sshll.u32 s6, $0x1;
	s3 =	sadd.s32 s4, s19  }
0x9c: {  	s7 =	simm.s32 $0x0;
	s20 =	sshll.u32 s5, $0x1;
	s5 =	sadd.s32 s21, s3  }
0x9d: {  	[timem:s7], [sflag:s22] =	dma.local [hbm:s5], s20  }
0x9e: {  	_ =	swait.ge [sflag:s22], s20  }
0x9f: {  	s4 =	ssub.s32 $0x0, s20;
	[sflag:s22] =	ssyncset.done $0x0  }
0xa0: {  	[sflag:s22] =	ssyncadd.s32 s4;
	_ =	sdelay $0x1  }
0xa1: {  	s23 =	simm.s32 $0x1B8B  }
0xa2: {  	_ =	swait.ge [sflag:s23], $0x1  }
0xa3: {  	[sflag:s23] =	ssyncset.done $0x0  }
0xa4: {  	s25 =	simm.s32 $0x1B8E;
	s24 =	sld [smem:$0x3FFE];
	[sflag:s23] =	ssyncadd.s32 $0xFFFFFFFF  }
0xa5: {  	s26 =	simm.s32 $execute0_lowered;
	[smem:$0x3FD2] =	sst s25  }
0xa6: {  	s5 =	sshll.u32 s26, $0x1;
	_ =	strace $0x80000046;
	[dreg:$0x1] =	wrdreg $0xFFFFFFFF  }
0xa7: {  	s28 =	simm.s32 $_size_execute0_lowered;
	s3 =	sadd.s32 s3, s5;
	[dreg:$0x0] =	wrdreg $0x0  }
0xa8: {  	s5 =	sshll.u32 s28, $0x1;
	[dreg:$0x2] =	wrdreg s3  }
0xa9: {  	[dreg:$0x3] =	wrdreg s5  }
0xaa: {  	[dreg:$0x4] =	wrdreg $0xC0  }
0xab: {  	_ =	task [dreg:s7], $0x5FFFF  }
0xac: {  	[dreg:$0x1] =	wrdreg $0xFFFFFFFF  }
0xad: {  	[dreg:$0x0] =	wrdreg $0x60  }
0xae: {  	[dreg:$0x2] =	wrdreg s2  }
0xaf: {  	[dreg:$0x3] =	wrdreg s24  }
0xb0: {  	[dreg:$0x4] =	wrdreg $0xA2000  }
0xb1: {  	[dreg:$0x5] =	wrdreg $0x1E2000  }
0xb2: {  	[dreg:$0x6] =	wrdreg $0x9  }
0xb3: {  	_ =	task.clear_ibuf [dreg:s7], $0x7FFFF;
	_ =	strace $0x90000046  }
0xb4: {  	s29 =	simm.s32 $0x9;
	_ =	strace $0x80000048  }
0xb5: {  	_ =	swait.ge [sflag:s29], $0x1  }
0xb6: {  	[sflag:s29] =	ssyncadd.s32 $0xFFFFFFFF  }
0xb7: {  	_ =	strace $0x90000048  }
0xb8: {  	_ =	sfence  }
0xb9: {  	s30 =	sld [smem:$0x0];
	_ =	sdelay $0x2  }
0xba: {  	s31 =	sshll.u32 s1, $0xD;
	s1 =	sshrl.u32 s1, $0x2  }
0xbb: {  	s3 =	sand.u32 $0x4000, s31;
	s1 =	sadd.s32 s1, s30  }
0xbc: {  	s0 =	sor.u32 s3, s0;
	s1 =	sshll.u32 s1, $0x11  }
0xbd: {  	s0 =	sor.u32 s1, s0  }
0xbe: {  	s0 =	sadd.s32 $0x8F2B, s0  }
0xbf: {  	[sflag:s0] =	ssyncadd.remote.s32 $0x1  }
0xc0: {  	_ =	sfence.sel $0xFFFF  }
0xc1: {  	[dreg:$0x0] =	wrdreg $0xFFFFFFFF;
	(pc) =	sbr.abs _section_cstart, $3  }
0xc2: {  	[dreg:$0x1] =	wrdreg $0xFFFFFFFF  }
0xc3: {  	_ =	task.clear_ibuf [dreg:s7], $0x2FFFF;
	_ =	strace $0x9FFFFFFF  }
0xc4: {  	(tm) =	ssettm $0x7FFFFFFF  }
0xc5: {  	_ =	shalt  }
tec
execute0_lowered:
.L_overlay_start_1:
0x0: {  	(tag) =	ssettag $0x1  }
0x1: {  	s0 =	rddreg [dreg:$0x0]  }
0x2: {  	s1 =	rddreg [dreg:$0x1]  }
0x3: {  	s2 =	rddreg [dreg:$0x2]  }
0x4: {  	s3 =	rddreg [dreg:$0x3]  }
0x5: {  	s13 =	stileid.u32;
	s4 =	simm.s32 $0x0;
	s7 =	srdreg.scid  }
0x6: {  	s5 =	sshrl.u32 s13, $0x3;
	s16 =	sshll.u32 s13, $0x7;
	s9 =	smul.u32 $0x14000, s13  }
0x7: {  	[smem:$0x7FF] =	sst s4;
	s17 =	sshll.u32 s13, $0xB;
	s19 =	smul.u32 $0x500, s13  }
0x8: {  	s10 =	sadd.s32 $0xEA00, s1;
	s18 =	sadd.s32 $0xE800, s1;
	s12 =	smul.u32 $0x50000, s13  }
0x9: {  	s20 =	sadd.s32 $0xE600, s1;
	s23 =	smul.u32 $0xA00, s13;
	s25 =	sshll.u32 s13, $0x6  }
0xa: {  	s6 =	smul.u32 $0x13C00, s5;
	_ =	strace $0x80000047;
	[dreg:$0x5] =	wrdreg s10  }
0xb: {  	s8 =	sand.u32 $0x380, s16;
	s5 =	sand.u32 $0x1, s7;
	[dreg:$0x6] =	wrdreg s18  }
0xc: {  	[dreg:$0x7] =	wrdreg s20;
	s7 =	smul.u32 $0x140000, s5;
	s21 =	sshll.u32 s5, $0x7  }
0xd: {  	s22 =	ssub.s32 $0x2, s5;
	s24 =	sshrl.u32 s12, $0x2;
	s26 =	smul.u32 $0x27100, s5  }
0xe: {  	s6 =	sor.u32 s8, s6;
	s8 =	sadd.s32 s17, s1;
	s11 =	sshrl.u32 s22, $0x1  }
0xf: {  	s14 =	sadd.s32 s24, s2;
	s6 =	sshrl.u32 s6, $0x3;
	s7 =	sadd.s32 s9, s7  }
0x10: {  	s9 =	sor.u32 s21, s19;
	s10 =	ssub.s32 s22, s11;
	s11 =	sshrl.u32 s23, $0x2  }
0x11: {  	s12 =	sadd.s32 $0x6600, s8;
	s28 =	sadd.s32 $0x6610, s8;
	s29 =	sadd.s32 $0x6620, s8  }
0x12: {  	s18 =	sshrl.u32 s14, $0x3;
	s19 =	simm.s32 $0x7;
	s21 =	simm.s32 $0x80  }
0x13: {  	s23 =	simm.s32 $0x200;
	s6 =	sadd.s32 s6, s1;
	s7 =	sshrl.u32 s7, $0x3  }
0x14: {  	s9 =	sshrl.u32 s9, $0x3;
	s20 =	sadd.s32 s11, s3;
	[dreg:$0x9] =	wrdreg s28  }
0x15: {  	s11 =	sadd.s32 s0, s26;
	[dreg:$0xa] =	wrdreg s29;
	s17 =	smax.u32 s10, $0x1  }
0x16: {  	s26 =	simm.s32 $0x0;
	s7 =	sadd.s32 s7, s1;
	s6 =	sadd.s32 $0x1600, s6  }
0x17: {  	s1 =	sadd.s32 s9, s1;
	[dreg:$0x8] =	wrdreg s6;
	s30 =	sadd.s32 $0x11C00, s7  }
0x18: {  	s9 =	sor.u32 $0x1C07, s25;
	s31 =	sadd.s32 $0x11200, s1;
	[dreg:$0xb] =	wrdreg s30  }
0x19: {  	s20 =	sshrl.u32 s20, $0x3;
	s25 =	simm.s32 $0x50;
	[dreg:$0xc] =	wrdreg s31  }
.LBB2_1:
0x1a: {  	s0 =	rddreg [dreg:$0x5]  }
0x1b: {  	[spmem:s18], [sflag:s9] =	dma.local [hbm:s0], $0x2800  }
0x1c: {  	_ =	swait.ge [sflag:s19], $0x2800  }
0x1d: {  	[sflag:s19] =	ssyncset.done $0x0  }
0x1e: {  	s14 =	rddreg [dreg:$0x6];
	[sflag:s19] =	ssyncadd.s32 $0xFFFFD800  }
0x1f: {  	[spmem:s20], [sflag:s9] =	dma.local [hbm:s14], $0x50  }
0x20: {  	_ =	swait.ge [sflag:s19], $0x50  }
0x21: {  	[sflag:s19] =	ssyncset.done $0x0  }
0x22: {  	s1 =	simm.s32 $0x400;
	s15 =	rddreg [dreg:$0x8];
	[sflag:s19] =	ssyncadd.s32 $0xFFFFFFB0  }
0x23: {  	[tilespmem:s23], [sflag:$0x7] =	stream.strided.gather [hbm4b:s15+s21], $0x2780, s1, s21, $0x38;
	[tilespmem:$0x1E480] =	vst v63  }
0x24: {  	_ =	swait.ge [sflag:s19], $0x2780  }
0x25: {  	[sflag:s19] =	ssyncset.done $0x0  }
0x26: {  	s22 =	simm.s32 $0xA180;
	s16 =	rddreg [dreg:$0x7];
	[sflag:s19] =	ssyncadd.s32 $0xFFFFD880  }
0x27: {  	[tilespmem:s22], [sflag:$0x7] =	stream.linear.gather [hbm4b:s16+s4], $0x80, $0x38;
	[tilespmem:$0x1E480] =	vst v63  }
0x28: {  	_ =	swait.ge [sflag:s19], $0x80  }
0x29: {  	s8 =	smul.u32 $0xAB, s4;
	[sflag:s19] =	ssyncset.done $0x0  }
0x2a: {  	s24 =	simm.s32 $0x2980;
	s6 =	simm.s32 $0x5180;
	[sflag:s19] =	ssyncadd.s32 $0xFFFFFF80  }
0x2b: {  	s10 =	simm.s32 $0x2A0;
	s0 =	sshrl.u32 s8, $0x9;
	[bflag:$0x0] =	sbarrier.arrive $0xFFFF  }
0x2c: {  	[tilespmem:s24], [sflag:$0x1] =	stream.indirect.gather [hbm4b:s11+s25], $0x80, s23, s25, $0xb8;
	[tilespmem:$0x1E480] =	vst v63  }
0x2d: {  	s28 =	simm.s32 $0x40;
	p1 =	por $0x0, $0x0;
	s0 =	sand.u32 $0x7F, s0  }
0x2e: {  	[tilespmem:s4], [sflag:$0x4] =	stream.linear.gather [hbm4b:s12+s4], $0x80, $0x38;
	[tilespmem:$0x1E480] =	vst v63  }
0x2f: {  	s29 =	simm.s32 $0x1;
	s0 =	smul.u32 $0x3, s0;
	s1 =	simm.s32 $0x250  }
0x30: {  	[tilespmem:s6], [sflag:$0x2] =	stream.indirect.gather [hbm4b:s11+s25], $0x80, s1, s25, $0xb8;
	[tilespmem:$0x1E480] =	vst v63  }
0x31: {  	p0 =	por $0x0, $0x0;
	s0 =	ssub.s32 $0x0, s0;
	s7 =	rddreg [dreg:$0x9]  }
0x32: {  	[tilespmem:s21], [sflag:$0x5] =	stream.linear.gather [hbm4b:s7+s4], $0x80, $0x38;
	[tilespmem:$0x1E480] =	vst v63  }
0x33: {  	s14 =	simm.s32 $0x100;
	s8 =	sand.u32 $0xFF, s0;
	s6 =	simm.s32 $0x7980  }
0x34: {  	[tilespmem:s6], [sflag:$0x3] =	stream.indirect.gather [hbm4b:s11+s25], $0x80, s10, s25, $0xb8;
	[tilespmem:$0x1E480] =	vst v63  }
0x35: {  	s31 =	sadd.s32 $0x1, s8;
	s13 =	rddreg [dreg:$0xa];
	s24 =	simm.s32 $0x30  }
0x36: {  	[tilespmem:s14], [sflag:$0x6] =	stream.linear.gather [hbm4b:s13+s4], $0x80, $0x38;
	[tilespmem:$0x1E480] =	vst v63  }
0x37: {  	s30 =	simm.s32 $0x340;
	s0 =	sand.u32 @!p1 $0xF80, s24;
	_ =	swait.ge [sflag:s31], $0x2800  }
0x38: {  	s22 =	simm.s32 $0x50;
	s0 =	sadd.s32 @!p1 s0, s12;
	[sflag:s31] =	ssyncset.done $0x0  }
0x39: {  	s1 =	sor.u32 $0x4, s8;
	s7 =	smul.u32 $0xA000, s8;
	[sflag:s31] =	ssyncadd.s32 $0xFFFFD800  }
0x3a: {  	p1 =	por p1, p1;
	s8 =	sshll.u32 s8, $0x7;
	_ =	swait.ge [sflag:s1], $0x80  }
0x3b: {  	s6 =	simm.s32 $0x2F0;
	s7 =	sshrl.u32 s7, $0x2;
	[sflag:s1] =	ssyncset.done $0x0  }
0x3c: {  	s10 =	smul.u32 $0xAB, s29;
	s7 =	sadd.s32 $0x2980, s7;
	[sflag:s1] =	ssyncadd.s32 $0xFFFFFF80  }
0x3d: {  	[spmem:s2] =	stream.indirect.scatter.add.f32 [tilespmem:s7], [sflag:$0x7], $0x80, s8, s25, $0xb8;
	[tilespmem:$0x1E480] =	vst v63  }
0x3e: {  	s13 =	sand.u32 $0x1, s4;
	s15 =	sshrl.u32 s10, $0x9;
	_ =	swait.ge [sflag:s19], $0x2800  }
0x3f: {  	p2 =	sne.s32 s13, s5;
	s16 =	sand.u32 $0x7F, s15;
	[sflag:s19] =	ssyncset.done $0x0  }
0x40: {  	s10 =	simm.s32 @!p2 $0x50;
	s14 =	simm.s32 @!p2 $0xA180;
	[sflag:s19] =	ssyncadd.s32 $0xFFFFD800  }
0x41: {  	[spmem:s3] =	stream.indirect.scatter.add.f32 @!p2 [tilespmem:s14], [sflag:$0x7], $0x1, s8, s10, $0xb8;
	[tilespmem:$0x1E480] =	vst v63  }
0x42: {  	s13 =	simm.s32 @!p2 $0x7;
	s10 =	sand.u32 @!p0 $0xF80, s28;
	s14 =	smul.u32 $0x3, s16  }
.LBB2_2:
0x43: {  	s10 =	sadd.s32 @!p0 s10, s12  }
0x44: {  	_ =	swait.ge @!p2 [sflag:s13], $0x50;
	s15 =	simm.s32 @!p1 $0x50;
	s16 =	smov.u32 s22  }
0x45: {  	s14 =	ssub.s32 s29, s14;
	s24 =	sand.u32 @!p1 $0x70, s24;
	[sflag:s13] =	ssyncset.done @!p2 $0x0  }
0x46: {  	s14 =	sand.u32 $0xFF, s14;
	s0 =	sadd.s32 @!p1 s24, s0;
	[sflag:s13] =	ssyncadd.s32 @!p2 $0xFFFFFFB0  }
0x47: {  	[tilespmem:s7], [sflag:s31] =	stream.indirect.gather @!p1 [hbm4b:s11+s15], $0x80, s6, s15, $0xb8;
	[tilespmem:$0x1E480] =	vst v63  }
0x48: {  	s31 =	sadd.s32 $0x1, s14;
	s6 =	smul.u32 $0xA000, s14;
	s7 =	simm.s32 @!p1 $0x0  }
0x49: {  	[tilespmem:s8], [sflag:s1] =	stream.linear.gather @!p1 [hbm4b:s0+s7], $0x80, $0x38;
	[tilespmem:$0x1E480] =	vst v63  }
0x4a: {  	s22 =	sadd.s32 $0x10, s22;
	s0 =	smov.u32 s10;
	_ =	swait.ge [sflag:s31], $0x2800  }
0x4b: {  	p3 =	sne.s32 s22, $0x800;
	s24 =	smov.u32 s28;
	[sflag:s31] =	ssyncset.done $0x0  }
0x4c: {  	s6 =	sshrl.u32 s6, $0x2;
	s1 =	sor.u32 $0x4, s14;
	[sflag:s31] =	ssyncadd.s32 $0xFFFFD800  }
0x4d: {  	s28 =	smov.u32 s16;
	s7 =	sadd.s32 $0x2980, s6;
	_ =	swait.ge [sflag:s1], $0x80  }
0x4e: {  	p1 =	por p0, p0;
	s6 =	smov.u32 s30;
	[sflag:s1] =	ssyncset.done $0x0  }
0x4f: {  	s8 =	sand.u32 $0x1, s29;
	s29 =	sadd.s32 $0x1, s29;
	[sflag:s1] =	ssyncadd.s32 $0xFFFFFF80  }
0x50: {  	s13 =	smul.u32 $0xAB, s29;
	p0 =	sgt.u32 s29, $0x79;
	p2 =	sne.s32 s8, s5  }
0x51: {  	s8 =	sshll.u32 s14, $0x7;
	s30 =	sadd.s32 $0x50, s30;
	s10 =	sand.u32 @!p0 $0xF80, s28  }
0x52: {  	[spmem:s2] =	stream.indirect.scatter.add.f32 [tilespmem:s7], [sflag:$0x7], $0x80, s8, s25, $0xb8;
	[tilespmem:$0x1E480] =	vst v63  }
.Ltmp0:
0x53: {  	_ = 	snop;
	(pc) =	sbr.rel @p3 .LBB2_2-.Ltmp0, $4  }
0x54: {  	s15 =	simm.s32 @!p2 $0x50;
	s13 =	sshrl.u32 s13, $0x9;
	_ =	swait.ge [sflag:s19], $0x2800  }
0x55: {  	s14 =	sand.u32 $0x7F, s13;
	s13 =	simm.s32 @!p2 $0x7;
	[sflag:s19] =	ssyncset.done $0x0  }
0x56: {  	s16 =	simm.s32 @!p2 $0xA180;
	s14 =	smul.u32 $0x3, s14;
	[sflag:s19] =	ssyncadd.s32 $0xFFFFD800  }
0x57: {  	[spmem:s3] =	stream.indirect.scatter.add.f32 @!p2 [tilespmem:s16], [sflag:$0x7], $0x1, s8, s15, $0xb8;
	[tilespmem:$0x1E480] =	vst v63  }
0x58: {  	_ =	swait.ge @!p2 [sflag:s13], $0x50  }
0x59: {  	[sflag:s13] =	ssyncset.done @!p2 $0x0  }
0x5a: {  	[sflag:s13] =	ssyncadd.s32 @!p2 $0xFFFFFFB0;
	s13 =	simm.s32 @!p1 $0x50  }
0x5b: {  	[tilespmem:s7], [sflag:s31] =	stream.indirect.gather @!p1 [hbm4b:s11+s13], $0x80, s6, s13, $0xb8;
	[tilespmem:$0x1E480] =	vst v63  }
0x5c: {  	s15 =	ssub.s32 s29, s14;
	s7 =	sand.u32 @!p1 $0x70, s24  }
0x5d: {  	s6 =	sand.u32 $0xFF, s15;
	s0 =	sadd.s32 @!p1 s7, s0;
	s7 =	simm.s32 @!p1 $0x0  }
0x5e: {  	[tilespmem:s8], [sflag:s1] =	stream.linear.gather @!p1 [hbm4b:s0+s7], $0x80, $0x38;
	[tilespmem:$0x1E480] =	vst v63  }
0x5f: {  	s0 =	sadd.s32 $0x1, s6  }
0x60: {  	_ =	swait.ge [sflag:s0], $0x2800  }
0x61: {  	[sflag:s0] =	ssyncset.done $0x0  }
0x62: {  	s16 =	smul.u32 $0xA000, s6;
	s7 =	sor.u32 $0x4, s6;
	[sflag:s0] =	ssyncadd.s32 $0xFFFFD800  }
0x63: {  	_ =	swait.ge [sflag:s7], $0x80  }
0x64: {  	s1 =	sshrl.u32 s16, $0x2;
	[sflag:s7] =	ssyncset.done $0x0  }
0x65: {  	s6 =	sshll.u32 s6, $0x7;
	s1 =	sadd.s32 $0x2980, s1;
	[sflag:s7] =	ssyncadd.s32 $0xFFFFFF80  }
0x66: {  	[spmem:s2] =	stream.indirect.scatter.add.f32 [tilespmem:s1], [sflag:$0x7], $0x80, s6, s25, $0xb8;
	[tilespmem:$0x1E480] =	vst v63  }
0x67: {  	s22 =	sand.u32 $0x1, s29;
	_ =	swait.ge [sflag:s19], $0x2800  }
0x68: {  	p1 =	sne.s32 s22, s5;
	[sflag:s19] =	ssyncset.done $0x0  }
0x69: {  	s8 =	simm.s32 @!p1 $0x50;
	s13 =	simm.s32 @!p1 $0xA180;
	[sflag:s19] =	ssyncadd.s32 $0xFFFFD800  }
0x6a: {  	[spmem:s3] =	stream.indirect.scatter.add.f32 @!p1 [tilespmem:s13], [sflag:$0x7], $0x1, s6, s8, $0xb8;
	[tilespmem:$0x1E480] =	vst v63  }
0x6b: {  	s8 =	simm.s32 @!p1 $0x7  }
0x6c: {  	_ =	swait.ge @!p1 [sflag:s8], $0x50  }
0x6d: {  	p2 =	por p0, p0;
	[sflag:s8] =	ssyncset.done @!p1 $0x0  }
0x6e: {  	[sflag:s8] =	ssyncadd.s32 @!p1 $0xFFFFFFB0;
	s8 =	simm.s32 @!p2 $0x50  }
0x6f: {  	[tilespmem:s1], [sflag:s0] =	stream.indirect.gather @!p2 [hbm4b:s11+s8], $0x80, s30, s8, $0xb8;
	[tilespmem:$0x1E480] =	vst v63  }
0x70: {  	s0 =	sadd.s32 @!p0 s10, s12;
	s1 =	sand.u32 @!p2 $0x70, s28  }
0x71: {  	s0 =	sadd.s32 @!p2 s1, s0;
	s1 =	simm.s32 @!p2 $0x0  }
0x72: {  	[tilespmem:s6], [sflag:s7] =	stream.linear.gather @!p2 [hbm4b:s0+s1], $0x80, $0x38;
	[tilespmem:$0x1E480] =	vst v63  }
0x73: {  	[bflag:$0x0] =	sbarrier.arrive $0xFFFF  }
0x74: {  	s29 =	simm.s32 $0x1;
	s24 =	rddreg [dreg:$0xb]  }
0x75: {  	[hbm:s24], [sflag:s9] =	dma.local [spmem:s18], $0x2800  }
0x76: {  	s26 =	sadd.s32 $0x1, s26;
	s31 =	simm.s32 $0x10;
	_ =	swait.ge [sflag:s19], $0x2800  }
0x77: {  	s30 =	simm.s32 $0x20;
	p0 =	sne.s32 s26, s17;
	[sflag:s19] =	ssyncset.done $0x0  }
.Ltmp1:
0x78: {  	s28 =	rddreg [dreg:$0xc];
	[sflag:s19] =	ssyncadd.s32 $0xFFFFD800;
	(pc) =	sbr.rel @p0 .LBB2_1-.Ltmp1, $4  }
0x79: {  	[hbm:s28@s30], [sflag:s9] =	dma.strided [spmem:s20@s31], $0x50, s29, $0x10   }
0x7a: {  	_ =	swait.ge [sflag:s19], $0x50  }
0x7b: {  	[sflag:s19] =	ssyncset.done $0x0  }
0x7c: {  	[sflag:s19] =	ssyncadd.s32 $0xFFFFFFB0  }
0x7d: {  	_ =	sfence.sel $0x180000  }
0x7e: {  	[bflag:$0x0] =	sbarrier.arrive $0xFFFF  }
0x7f: {  	_ =	strace $0x90000047  }
0x80: {  	s0 =	stileid.u32;
	[bflag:$0x2] =	sbarrier.arrive $0xFFFF  }
0x81: {  	p0 =	sne.s32 s0, $0x0;
	s0 =	rddreg [dreg:$0x4]  }
0x82: {  	s0 =	sadd.s32 @!p0 $0x100000, s0  }
0x83: {  	[sflag:s0] =	ssyncadd.tile.s32 @!p0 $0x1;
	_ =	shalt  }
.Lfunc_end2:
_tile_overlayer_lowered:
.L_overlay_start_2:
0x84: {  	(tag) =	ssettag $0x2  }
0x85: {  	s0 =	rddreg [dreg:$0x0];
	s2 =	stileid.u32  }
0x86: {  	s1 =	rddreg [dreg:$0x1];
	p0 =	sne.s32 s2, $0x0  }
0x87: {  	s3 =	rddreg [dreg:$0x2];
	[bflag:$0x3] =	sbarrier.arrive $0xFFFF;
	s2 =	simm.s32 @!p0 $0x1C07  }
0x88: {  	[timem:s3], [sflag:s2] =	dma.local @!p0 [hbm:s0], s1  }
0x89: {  	s0 =	simm.s32 @!p0 $0x7  }
0x8a: {  	_ =	swait.ge @!p0 [sflag:s0], s1  }
0x8b: {  	s1 =	ssub.s32 @!p0 $0x0, s1;
	[sflag:s0] =	ssyncset.done @!p0 $0x0  }
0x8c: {  	[sflag:s0] =	ssyncadd.s32 @!p0 s1  }
0x8d: {  	[bflag:$0x3] =	sbarrier.arrive $0xFFFF  }
0x8e: {  	_ =	shalt  }

</sc_bundles>
